<compile_context>
chip_gen: v7x
topology: tpu7x:2x2x1
jax: 0.10.2.dev20260603
libtpu: 0.0.44.dev20260713+nightly
codegen_flags: <defaults>
</compile_context>

<pallas_src>
import functools

import jax
import jax.numpy as jnp
from jax import lax
from jax.experimental import pallas as pl
from jax.experimental.pallas import tpu as pltpu
from jax.experimental.pallas import tpu_sc as plsc

N = 10000
D = 128
H = 128

NW = 32
K = 128
NPAD = 10240
RPW = NPAD // 16
DEGW = 16



def _deg_kernel(dst_hbm, ones_hbm, zeros_hbm, out_hbm, dst_v, ones_v, sem,
                acc_sh, *, n_chunks):
    c = lax.axis_index("c")
    s = lax.axis_index("s")
    wid = c * 16 + s
    pltpu.sync_copy(ones_hbm, ones_v)
    pltpu.sync_copy(zeros_hbm, acc_sh.at[pl.ds(s * RPW, RPW)])
    plsc.subcore_barrier()

    base = wid * (n_chunks * K)

    def body(i, carry):
        off = base + i * K
        pltpu.sync_copy(dst_hbm.at[pl.ds(off, K)], dst_v)
        pltpu.sync_copy(ones_v, acc_sh.at[dst_v], add=True)
        return carry

    lax.fori_loop(0, n_chunks, body, 0)
    plsc.subcore_barrier()
    pltpu.sync_copy(acc_sh.at[pl.ds(s * RPW, RPW)],
                    out_hbm.at[c, pl.ds(s * RPW, RPW)])


def _agg_kernel(h_hbm, src_hbm, dst_hbm, zeros_hbm, out_hbm,
                src_v, dst_v, rows_v, sem, acc_sh, *, n_chunks):
    c = lax.axis_index("c")
    s = lax.axis_index("s")
    wid = c * 16 + s
    pltpu.sync_copy(zeros_hbm, acc_sh.at[pl.ds(s * RPW, RPW)])
    plsc.subcore_barrier()

    base = wid * (n_chunks * K)

    def body(i, carry):
        off = base + i * K
        pltpu.sync_copy(src_hbm.at[pl.ds(off, K)], src_v)
        pltpu.sync_copy(dst_hbm.at[pl.ds(off, K)], dst_v)
        pltpu.async_copy(h_hbm.at[src_v], rows_v, sem).wait()
        pltpu.sync_copy(rows_v, acc_sh.at[dst_v], add=True)
        return carry

    lax.fori_loop(0, n_chunks, body, 0)
    plsc.subcore_barrier()
    pltpu.sync_copy(acc_sh.at[pl.ds(s * RPW, RPW)],
                    out_hbm.at[c, pl.ds(s * RPW, RPW)])


def _make_deg(n_chunks):
    mesh = plsc.VectorSubcoreMesh(core_axis_name="c", subcore_axis_name="s")
    return pl.kernel(
        functools.partial(_deg_kernel, n_chunks=n_chunks),
        out_type=jax.ShapeDtypeStruct((2, NPAD, DEGW), jnp.float32),
        mesh=mesh,
        scratch_types=[
            pltpu.VMEM((K,), jnp.int32),
            pltpu.VMEM((K, DEGW), jnp.float32),
            pltpu.SemaphoreType.DMA,
            pltpu.MemorySpace.VMEM_SHARED((NPAD, DEGW), jnp.float32),
        ],
    )


def _make_agg(n_chunks):
    mesh = plsc.VectorSubcoreMesh(core_axis_name="c", subcore_axis_name="s")
    return pl.kernel(
        functools.partial(_agg_kernel, n_chunks=n_chunks),
        out_type=jax.ShapeDtypeStruct((2, NPAD, H), jnp.float32),
        mesh=mesh,
        scratch_types=[
            pltpu.VMEM((K,), jnp.int32),
            pltpu.VMEM((K,), jnp.int32),
            pltpu.VMEM((K, H), jnp.float32),
            pltpu.SemaphoreType.DMA,
            pltpu.MemorySpace.VMEM_SHARED((NPAD, H), jnp.float32),
        ],
    )



RB = 2000


def _dinv(dega_ref, degb_ref):
    deg = dega_ref[:, 0:1] + degb_ref[:, 0:1] + 1.0
    return lax.rsqrt(deg)


def _mm_scale_body(x_ref, w_ref, dega_ref, degb_ref, o_ref):
    dinv = _dinv(dega_ref, degb_ref)
    h = jnp.dot(x_ref[...], w_ref[...], preferred_element_type=jnp.float32)
    o_ref[...] = h * dinv


def _mid_body(agg_ref, hp_ref, w_ref, b_ref, dega_ref, degb_ref, o_ref):
    dinv = _dinv(dega_ref, degb_ref)
    tot = agg_ref[0] + agg_ref[1] + hp_ref[...]
    out1 = jnp.maximum(tot * dinv + b_ref[...], 0.0)
    o_ref[...] = jnp.dot(out1, w_ref[...],
                         preferred_element_type=jnp.float32) * dinv


def _final_body(agg_ref, hp_ref, b_ref, dega_ref, degb_ref, o_ref):
    dinv = _dinv(dega_ref, degb_ref)
    tot = agg_ref[0] + agg_ref[1] + hp_ref[...]
    o_ref[...] = jnp.maximum(tot * dinv + b_ref[...], 0.0)


def _row_spec(width):
    return pl.BlockSpec((RB, width), lambda i: (i, 0))


def _full_spec(shape):
    return pl.BlockSpec(shape, lambda i: tuple(0 for _ in shape))


def _mm_scale(x, w, dega, degb):
    return pl.pallas_call(
        _mm_scale_body,
        grid=(N // RB,),
        in_specs=[
            _row_spec(D),
            _full_spec((D, H)),
            _row_spec(DEGW),
            _row_spec(DEGW),
        ],
        out_specs=_row_spec(H),
        out_shape=jax.ShapeDtypeStruct((N, H), jnp.float32),
    )(x, w, dega, degb)


def _mid(agg, hp, w, b, dega, degb):
    return pl.pallas_call(
        _mid_body,
        grid=(N // RB,),
        in_specs=[
            pl.BlockSpec((2, RB, H), lambda i: (0, i, 0)),
            _row_spec(H),
            _full_spec((H, H)),
            _full_spec((1, H)),
            _row_spec(DEGW),
            _row_spec(DEGW),
        ],
        out_specs=_row_spec(H),
        out_shape=jax.ShapeDtypeStruct((N, H), jnp.float32),
    )(agg, hp, w, b, dega, degb)


def _final(agg, hp, b, dega, degb):
    return pl.pallas_call(
        _final_body,
        grid=(N // RB,),
        in_specs=[
            pl.BlockSpec((2, RB, H), lambda i: (0, i, 0)),
            _row_spec(H),
            _full_spec((1, H)),
            _row_spec(DEGW),
            _row_spec(DEGW),
        ],
        out_specs=_row_spec(H),
        out_shape=jax.ShapeDtypeStruct((N, H), jnp.float32),
    )(agg, hp, b, dega, degb)



def kernel(x, edge_index, W1, b1, W2, b2):
    src = edge_index[0]
    dst = edge_index[1]
    e = src.shape[0]

    epad = -(-e // (NW * K)) * (NW * K)
    n_chunks = epad // (NW * K)
    pad = epad - e
    src_p = jnp.concatenate([src, jnp.zeros((pad,), jnp.int32)])
    dst_p = jnp.concatenate([dst, jnp.full((pad,), N, jnp.int32)])

    zeros_rows = jnp.zeros((RPW, H), jnp.float32)
    zeros_deg = jnp.zeros((RPW, DEGW), jnp.float32)
    ones_v = jnp.ones((K, DEGW), jnp.float32)

    deg = _make_deg(n_chunks)(dst_p, ones_v, zeros_deg)
    dega = deg[0]
    degb = deg[1]

    b1r = b1.reshape(1, H)
    b2r = b2.reshape(1, H)

    h1p = _mm_scale(x, W1, dega[:N], degb[:N])
    agg1 = _make_agg(n_chunks)(h1p, src_p, dst_p, zeros_rows)
    h2p = _mid(agg1[:, :N], h1p, W2, b1r, dega[:N], degb[:N])
    agg2 = _make_agg(n_chunks)(h2p, src_p, dst_p, zeros_rows)
    out = _final(agg2[:, :N], h2p, b2r, dega[:N], degb[:N])
    return out

# --- scband reference (transcript-rebuilt; emitter-appended) ---
"""Pipeline reference for scband-encoder-6141803233543 (READ-ONLY COPY).

The authoritative reference and input builder live on the scoring server;
editing this copy changes nothing except your own understanding.
"""

import jax, jax.numpy as jnp
import numpy as np

N = 10000
E = 320000
D = 128
H = 128


def glorot(key, shape):
    fan_in, fan_out = shape[0], shape[1]
    limit = float(np.sqrt(6.0 / (fan_in + fan_out)))
    return jax.random.uniform(key, shape, dtype=jnp.float32, minval=-limit, maxval=limit)


def setup_inputs(seed: int = 0) -> dict:
    key = jax.random.key(seed)
    k1, k2, k3, k4 = jax.random.split(key, 4)
    x = jax.random.normal(k1, (N, D), dtype=jnp.float32)
    edge_index = jax.random.randint(k2, (2, E), 0, N, dtype=jnp.int32)
    W1 = glorot(k3, (D, H))
    b1 = jnp.zeros((H,), dtype=jnp.float32)
    W2 = glorot(k4, (H, H))
    b2 = jnp.zeros((H,), dtype=jnp.float32)
    return {"x": x, "edge_index": edge_index, "W1": W1, "b1": b1, "W2": W2, "b2": b2}


def gcn_conv(x, src, dst, W, b):
    # PyG GCNConv: add self-loops, symmetric normalization D^-1/2 A D^-1/2,
    # linear transform (bias added after aggregation).
    n = x.shape[0]
    loop = jnp.arange(n, dtype=src.dtype)
    src_sl = jnp.concatenate([src, loop])
    dst_sl = jnp.concatenate([dst, loop])
    deg = jnp.zeros((n,), dtype=jnp.float32).at[dst_sl].add(1.0)
    dinv = jax.lax.rsqrt(jnp.maximum(deg, 1e-12))
    norm = dinv[src_sl] * dinv[dst_sl]
    h = x @ W
    msg = h[src_sl] * norm[:, None]
    out = jnp.zeros((n, W.shape[1]), dtype=h.dtype).at[dst_sl].add(msg)
    return out + b


def reference(x, edge_index, W1, b1, W2, b2):
    src = edge_index[0]
    dst = edge_index[1]
    h = jax.nn.relu(gcn_conv(x, src, dst, W1, b1))
    # dropout is identity in eval mode (training=False)
    h = jax.nn.relu(gcn_conv(h, src, dst, W2, b2))
    return h

if __name__ == "__main__":
    import jax
    _d = setup_inputs()
    print(jax.jit(kernel)(*tuple(_d.values())))

</pallas_src>

<mosaic_0001>
#map = affine_map<(d0, d1) -> (0)>
#map1 = affine_map<(d0, d1) -> (0, 0)>
#map2 = affine_map<(d0, d1) -> (0, 0, 0)>
module attributes {stable_mosaic.version = 14 : i64} {
  func.func @_deg_kernel(%arg0: i32, %arg1: i32, %arg2: memref<323584xi32, #tpu.memory_space<hbm>>, %arg3: memref<128x16xf32, #tpu.memory_space<hbm>>, %arg4: memref<640x16xf32, #tpu.memory_space<hbm>>, %arg5: memref<2x10240x16xf32, #tpu.memory_space<hbm>>, %arg6: memref<128xi32, #tpu.memory_space<vmem>>, %arg7: memref<128x16xf32, #tpu.memory_space<vmem>>, %arg8: memref<!tpu.dma_semaphore, #tpu.memory_space<semaphore_mem>>, %arg9: memref<10240x16xf32, #tpu.memory_space<vmem_shared>>) attributes {dimension_semantics = [#tpu.dimension_semantics<core_parallel>, #tpu.dimension_semantics<subcore_parallel>], iteration_bounds = array<i64: 2, 16>, scalar_prefetch = 0 : i64, scratch_operands = 4 : i64, tpu.core_type = #tpu.core_type<sc_vector_subcore>, window_params = [{transform_indices = #map}, {transform_indices = #map1}, {transform_indices = #map1}, {transform_indices = #map2}]} {
    %mul3A = arith.constant 16 : i32
    %mul3A_0 = arith.muli %arg0, %mul3A : i32
    %add3A = arith.addi %mul3A_0, %arg1 : i32
    "tpu.region"() ({
      %run_scoped3A = tpu.sem_alloc : memref<!tpu.dma_semaphore, #tpu.memory_space<semaphore_mem>>
      tpu.enqueue_dma source(%arg3 : memref<128x16xf32, #tpu.memory_space<hbm>>) target(%arg7 : memref<128x16xf32, #tpu.memory_space<vmem>>) target_semaphore(%run_scoped3A : memref<!tpu.dma_semaphore, #tpu.memory_space<semaphore_mem>>)
      tpu.wait_dma2 semaphore(%run_scoped3A : memref<!tpu.dma_semaphore, #tpu.memory_space<semaphore_mem>>) src(%arg3 : memref<128x16xf32, #tpu.memory_space<hbm>>) dst(%arg7 : memref<128x16xf32, #tpu.memory_space<vmem>>)
      tpu.yield
    }) : () -> ()
    %mul3A_1 = arith.constant 640 : i32
    %mul3A_2 = arith.muli %arg1, %mul3A_1 : i32
    "tpu.region"() ({
      %run_scoped3A = tpu.sem_alloc : memref<!tpu.dma_semaphore, #tpu.memory_space<semaphore_mem>>
      %dma_start3A = arith.constant 0 : i32
      %dma_start3A_15 = tpu.memref_slice %arg9[%mul3A_2, %dma_start3A] : memref<10240x16xf32, #tpu.memory_space<vmem_shared>> -> memref<640x16xf32, #tpu.memory_space<vmem_shared>>
      tpu.enqueue_dma source(%arg4 : memref<640x16xf32, #tpu.memory_space<hbm>>) target(%dma_start3A_15 : memref<640x16xf32, #tpu.memory_space<vmem_shared>>) target_semaphore(%run_scoped3A : memref<!tpu.dma_semaphore, #tpu.memory_space<semaphore_mem>>)
      %dma_wait3A = arith.constant 0 : i32
      %dma_wait3A_16 = tpu.memref_slice %arg9[%mul3A_2, %dma_wait3A] : memref<10240x16xf32, #tpu.memory_space<vmem_shared>> -> memref<640x16xf32, #tpu.memory_space<vmem_shared>>
      tpu.wait_dma2 semaphore(%run_scoped3A : memref<!tpu.dma_semaphore, #tpu.memory_space<semaphore_mem>>) src(%arg4 : memref<640x16xf32, #tpu.memory_space<hbm>>) dst(%dma_wait3A_16 : memref<640x16xf32, #tpu.memory_space<vmem_shared>>)
      tpu.yield
    }) : () -> ()
    %barrier3A = arith.constant 0 : index
    tpu.barrier barrier_id(%barrier3A)
    %mul3A_3 = arith.constant 10112 : i32
    %mul3A_4 = arith.muli %add3A, %mul3A_3 : i32
    %scan3A = arith.constant 0 : i32
    %scan3A_5 = arith.constant 0 : i32
    %scan3A_6 = arith.constant 79 : i32
    %scan3A_7 = arith.addi %scan3A_5, %scan3A_6 : i32
    %scan3A_8 = arith.constant 1 : i32
    scf.for %scan3A_15 = %scan3A_5 to %scan3A_7 step %scan3A_8  : i32 {
      %mul3A_16 = arith.constant 128 : i32
      %mul3A_17 = arith.muli %scan3A_15, %mul3A_16 : i32
      %add3A_18 = arith.addi %mul3A_4, %mul3A_17 : i32
      "tpu.region"() ({
        %run_scoped3A = tpu.sem_alloc : memref<!tpu.dma_semaphore, #tpu.memory_space<semaphore_mem>>
        %dma_start3A = tpu.memref_slice %arg2[%add3A_18] : memref<323584xi32, #tpu.memory_space<hbm>> -> memref<128xi32, #tpu.memory_space<hbm>>
        %dma_start3A_19 = tpu.memref_slice %arg2[%add3A_18] : memref<323584xi32, #tpu.memory_space<hbm>> -> memref<128xi32, #tpu.memory_space<hbm>>
        tpu.enqueue_dma source(%dma_start3A_19 : memref<128xi32, #tpu.memory_space<hbm>>) target(%arg6 : memref<128xi32, #tpu.memory_space<vmem>>) target_semaphore(%run_scoped3A : memref<!tpu.dma_semaphore, #tpu.memory_space<semaphore_mem>>)
        %dma_wait3A = tpu.memref_slice %arg2[%add3A_18] : memref<323584xi32, #tpu.memory_space<hbm>> -> memref<128xi32, #tpu.memory_space<hbm>>
        %dma_wait3A_20 = tpu.memref_slice %arg2[%add3A_18] : memref<323584xi32, #tpu.memory_space<hbm>> -> memref<128xi32, #tpu.memory_space<hbm>>
        tpu.wait_dma2 semaphore(%run_scoped3A : memref<!tpu.dma_semaphore, #tpu.memory_space<semaphore_mem>>) src(%dma_wait3A_20 : memref<128xi32, #tpu.memory_space<hbm>>) dst(%arg6 : memref<128xi32, #tpu.memory_space<vmem>>)
        tpu.yield
      }) : () -> ()
      "tpu.region"() ({
        %run_scoped3A = tpu.sem_alloc : memref<!tpu.dma_semaphore, #tpu.memory_space<semaphore_mem>>
        %dma_start3A = arith.constant 0 : i32
        %dma_start3A_19 = arith.constant 0 : i32
        %dma_start3A_20 = tpu.memref_slice %arg9[%dma_start3A, %dma_start3A_19] : memref<10240x16xf32, #tpu.memory_space<vmem_shared>> -> memref<10240x16xf32, #tpu.memory_space<vmem_shared>>
        tpu.enqueue_indirect_dma source(%arg7 : memref<128x16xf32, #tpu.memory_space<vmem>>) target(%dma_start3A_20 : memref<10240x16xf32, #tpu.memory_space<vmem_shared>>) offsets(%arg6 : memref<128xi32, #tpu.memory_space<vmem>>) semaphore(%run_scoped3A : memref<!tpu.dma_semaphore, #tpu.memory_space<semaphore_mem>>) {add = true}
        %dma_wait3A = arith.constant 0 : i32
        %dma_wait3A_21 = arith.constant 0 : i32
        %dma_wait3A_22 = tpu.memref_slice %arg9[%dma_wait3A, %dma_wait3A_21] : memref<10240x16xf32, #tpu.memory_space<vmem_shared>> -> memref<10240x16xf32, #tpu.memory_space<vmem_shared>>
        tpu.wait_indirect_dma semaphore(%run_scoped3A : memref<!tpu.dma_semaphore, #tpu.memory_space<semaphore_mem>>) src(%arg7 : memref<128x16xf32, #tpu.memory_space<vmem>>) dst(%dma_wait3A_22 : memref<10240x16xf32, #tpu.memory_space<vmem_shared>>)
        tpu.yield
      }) : () -> ()
    }
    %scan3A_9 = arith.constant 79 : i32
    %barrier3A_10 = arith.constant 0 : index
    tpu.barrier barrier_id(%barrier3A_10)
    %mul3A_11 = arith.constant 640 : i32
    %mul3A_12 = arith.muli %arg1, %mul3A_11 : i32
    %mul3A_13 = arith.constant 640 : i32
    %mul3A_14 = arith.muli %arg1, %mul3A_13 : i32
    "tpu.region"() ({
      %run_scoped3A = tpu.sem_alloc : memref<!tpu.dma_semaphore, #tpu.memory_space<semaphore_mem>>
      %dma_start3A = arith.constant 0 : i32
      %dma_start3A_15 = tpu.memref_slice %arg5[%arg0, %mul3A_14, %dma_start3A] : memref<2x10240x16xf32, #tpu.memory_space<hbm>> -> memref<1x640x16xf32, #tpu.memory_space<hbm>>
      %dma_start3A_16 = tpu.memref_squeeze %dma_start3A_15 : memref<1x640x16xf32, #tpu.memory_space<hbm>> -> memref<640x16xf32, #tpu.memory_space<hbm>>
      %dma_start3A_17 = arith.constant 0 : i32
      %dma_start3A_18 = tpu.memref_slice %arg9[%mul3A_12, %dma_start3A_17] : memref<10240x16xf32, #tpu.memory_space<vmem_shared>> -> memref<640x16xf32, #tpu.memory_space<vmem_shared>>
      tpu.enqueue_dma source(%dma_start3A_18 : memref<640x16xf32, #tpu.memory_space<vmem_shared>>) target(%dma_start3A_16 : memref<640x16xf32, #tpu.memory_space<hbm>>) target_semaphore(%run_scoped3A : memref<!tpu.dma_semaphore, #tpu.memory_space<semaphore_mem>>)
      %dma_wait3A = arith.constant 0 : i32
      %dma_wait3A_19 = tpu.memref_slice %arg5[%arg0, %mul3A_14, %dma_wait3A] : memref<2x10240x16xf32, #tpu.memory_space<hbm>> -> memref<1x640x16xf32, #tpu.memory_space<hbm>>
      %dma_wait3A_20 = tpu.memref_squeeze %dma_wait3A_19 : memref<1x640x16xf32, #tpu.memory_space<hbm>> -> memref<640x16xf32, #tpu.memory_space<hbm>>
      %dma_wait3A_21 = arith.constant 0 : i32
      %dma_wait3A_22 = tpu.memref_slice %arg9[%mul3A_12, %dma_wait3A_21] : memref<10240x16xf32, #tpu.memory_space<vmem_shared>> -> memref<640x16xf32, #tpu.memory_space<vmem_shared>>
      tpu.wait_dma2 semaphore(%run_scoped3A : memref<!tpu.dma_semaphore, #tpu.memory_space<semaphore_mem>>) src(%dma_wait3A_22 : memref<640x16xf32, #tpu.memory_space<vmem_shared>>) dst(%dma_wait3A_20 : memref<640x16xf32, #tpu.memory_space<hbm>>)
      tpu.yield
    }) : () -> ()
    return
  }
}

#map = affine_map<(d0, d1) -> (0, 0)>
#map1 = affine_map<(d0, d1) -> (0)>
#map2 = affine_map<(d0, d1) -> (0, 0, 0)>
module attributes {stable_mosaic.version = 14 : i64} {
  func.func @_agg_kernel(%arg0: i32, %arg1: i32, %arg2: memref<10000x128xf32, #tpu.memory_space<hbm>>, %arg3: memref<323584xi32, #tpu.memory_space<hbm>>, %arg4: memref<323584xi32, #tpu.memory_space<hbm>>, %arg5: memref<640x128xf32, #tpu.memory_space<hbm>>, %arg6: memref<2x10240x128xf32, #tpu.memory_space<hbm>>, %arg7: memref<128xi32, #tpu.memory_space<vmem>>, %arg8: memref<128xi32, #tpu.memory_space<vmem>>, %arg9: memref<128x128xf32, #tpu.memory_space<vmem>>, %arg10: memref<!tpu.dma_semaphore, #tpu.memory_space<semaphore_mem>>, %arg11: memref<10240x128xf32, #tpu.memory_space<vmem_shared>>) attributes {dimension_semantics = [#tpu.dimension_semantics<core_parallel>, #tpu.dimension_semantics<subcore_parallel>], iteration_bounds = array<i64: 2, 16>, scalar_prefetch = 0 : i64, scratch_operands = 5 : i64, tpu.core_type = #tpu.core_type<sc_vector_subcore>, window_params = [{transform_indices = #map}, {transform_indices = #map1}, {transform_indices = #map1}, {transform_indices = #map}, {transform_indices = #map2}]} {
    %mul3A = arith.constant 16 : i32
    %mul3A_0 = arith.muli %arg0, %mul3A : i32
    %add3A = arith.addi %mul3A_0, %arg1 : i32
    %mul3A_1 = arith.constant 640 : i32
    %mul3A_2 = arith.muli %arg1, %mul3A_1 : i32
    "tpu.region"() ({
      %run_scoped3A = tpu.sem_alloc : memref<!tpu.dma_semaphore, #tpu.memory_space<semaphore_mem>>
      %dma_start3A = arith.constant 0 : i32
      %dma_start3A_15 = tpu.memref_slice %arg11[%mul3A_2, %dma_start3A] : memref<10240x128xf32, #tpu.memory_space<vmem_shared>> -> memref<640x128xf32, #tpu.memory_space<vmem_shared>>
      tpu.enqueue_dma source(%arg5 : memref<640x128xf32, #tpu.memory_space<hbm>>) target(%dma_start3A_15 : memref<640x128xf32, #tpu.memory_space<vmem_shared>>) target_semaphore(%run_scoped3A : memref<!tpu.dma_semaphore, #tpu.memory_space<semaphore_mem>>)
      %dma_wait3A = arith.constant 0 : i32
      %dma_wait3A_16 = tpu.memref_slice %arg11[%mul3A_2, %dma_wait3A] : memref<10240x128xf32, #tpu.memory_space<vmem_shared>> -> memref<640x128xf32, #tpu.memory_space<vmem_shared>>
      tpu.wait_dma2 semaphore(%run_scoped3A : memref<!tpu.dma_semaphore, #tpu.memory_space<semaphore_mem>>) src(%arg5 : memref<640x128xf32, #tpu.memory_space<hbm>>) dst(%dma_wait3A_16 : memref<640x128xf32, #tpu.memory_space<vmem_shared>>)
      tpu.yield
    }) : () -> ()
    %barrier3A = arith.constant 0 : index
    tpu.barrier barrier_id(%barrier3A)
    %mul3A_3 = arith.constant 10112 : i32
    %mul3A_4 = arith.muli %add3A, %mul3A_3 : i32
    %scan3A = arith.constant 0 : i32
    %scan3A_5 = arith.constant 0 : i32
    %scan3A_6 = arith.constant 79 : i32
    %scan3A_7 = arith.addi %scan3A_5, %scan3A_6 : i32
    %scan3A_8 = arith.constant 1 : i32
    scf.for %scan3A_15 = %scan3A_5 to %scan3A_7 step %scan3A_8  : i32 {
      %mul3A_16 = arith.constant 128 : i32
      %mul3A_17 = arith.muli %scan3A_15, %mul3A_16 : i32
      %add3A_18 = arith.addi %mul3A_4, %mul3A_17 : i32
      "tpu.region"() ({
        %run_scoped3A = tpu.sem_alloc : memref<!tpu.dma_semaphore, #tpu.memory_space<semaphore_mem>>
        %dma_start3A_23 = tpu.memref_slice %arg3[%add3A_18] : memref<323584xi32, #tpu.memory_space<hbm>> -> memref<128xi32, #tpu.memory_space<hbm>>
        %dma_start3A_24 = tpu.memref_slice %arg3[%add3A_18] : memref<323584xi32, #tpu.memory_space<hbm>> -> memref<128xi32, #tpu.memory_space<hbm>>
        tpu.enqueue_dma source(%dma_start3A_24 : memref<128xi32, #tpu.memory_space<hbm>>) target(%arg7 : memref<128xi32, #tpu.memory_space<vmem>>) target_semaphore(%run_scoped3A : memref<!tpu.dma_semaphore, #tpu.memory_space<semaphore_mem>>)
        %dma_wait3A_25 = tpu.memref_slice %arg3[%add3A_18] : memref<323584xi32, #tpu.memory_space<hbm>> -> memref<128xi32, #tpu.memory_space<hbm>>
        %dma_wait3A_26 = tpu.memref_slice %arg3[%add3A_18] : memref<323584xi32, #tpu.memory_space<hbm>> -> memref<128xi32, #tpu.memory_space<hbm>>
        tpu.wait_dma2 semaphore(%run_scoped3A : memref<!tpu.dma_semaphore, #tpu.memory_space<semaphore_mem>>) src(%dma_wait3A_26 : memref<128xi32, #tpu.memory_space<hbm>>) dst(%arg7 : memref<128xi32, #tpu.memory_space<vmem>>)
        tpu.yield
      }) : () -> ()
      "tpu.region"() ({
        %run_scoped3A = tpu.sem_alloc : memref<!tpu.dma_semaphore, #tpu.memory_space<semaphore_mem>>
        %dma_start3A_23 = tpu.memref_slice %arg4[%add3A_18] : memref<323584xi32, #tpu.memory_space<hbm>> -> memref<128xi32, #tpu.memory_space<hbm>>
        %dma_start3A_24 = tpu.memref_slice %arg4[%add3A_18] : memref<323584xi32, #tpu.memory_space<hbm>> -> memref<128xi32, #tpu.memory_space<hbm>>
        tpu.enqueue_dma source(%dma_start3A_24 : memref<128xi32, #tpu.memory_space<hbm>>) target(%arg8 : memref<128xi32, #tpu.memory_space<vmem>>) target_semaphore(%run_scoped3A : memref<!tpu.dma_semaphore, #tpu.memory_space<semaphore_mem>>)
        %dma_wait3A_25 = tpu.memref_slice %arg4[%add3A_18] : memref<323584xi32, #tpu.memory_space<hbm>> -> memref<128xi32, #tpu.memory_space<hbm>>
        %dma_wait3A_26 = tpu.memref_slice %arg4[%add3A_18] : memref<323584xi32, #tpu.memory_space<hbm>> -> memref<128xi32, #tpu.memory_space<hbm>>
        tpu.wait_dma2 semaphore(%run_scoped3A : memref<!tpu.dma_semaphore, #tpu.memory_space<semaphore_mem>>) src(%dma_wait3A_26 : memref<128xi32, #tpu.memory_space<hbm>>) dst(%arg8 : memref<128xi32, #tpu.memory_space<vmem>>)
        tpu.yield
      }) : () -> ()
      %dma_start3A = arith.constant 0 : i32
      %dma_start3A_19 = arith.constant 0 : i32
      %dma_start3A_20 = tpu.memref_slice %arg2[%dma_start3A, %dma_start3A_19] : memref<10000x128xf32, #tpu.memory_space<hbm>> -> memref<10000x128xf32, #tpu.memory_space<hbm>>
      tpu.enqueue_indirect_dma source(%dma_start3A_20 : memref<10000x128xf32, #tpu.memory_space<hbm>>) target(%arg9 : memref<128x128xf32, #tpu.memory_space<vmem>>) offsets(%arg7 : memref<128xi32, #tpu.memory_space<vmem>>) semaphore(%arg10 : memref<!tpu.dma_semaphore, #tpu.memory_space<semaphore_mem>>)
      %dma_wait3A = arith.constant 0 : i32
      %dma_wait3A_21 = arith.constant 0 : i32
      %dma_wait3A_22 = tpu.memref_slice %arg2[%dma_wait3A, %dma_wait3A_21] : memref<10000x128xf32, #tpu.memory_space<hbm>> -> memref<10000x128xf32, #tpu.memory_space<hbm>>
      tpu.wait_indirect_dma semaphore(%arg10 : memref<!tpu.dma_semaphore, #tpu.memory_space<semaphore_mem>>) src(%dma_wait3A_22 : memref<10000x128xf32, #tpu.memory_space<hbm>>) dst(%arg9 : memref<128x128xf32, #tpu.memory_space<vmem>>)
      "tpu.region"() ({
        %run_scoped3A = tpu.sem_alloc : memref<!tpu.dma_semaphore, #tpu.memory_space<semaphore_mem>>
        %dma_start3A_23 = arith.constant 0 : i32
        %dma_start3A_24 = arith.constant 0 : i32
        %dma_start3A_25 = tpu.memref_slice %arg11[%dma_start3A_23, %dma_start3A_24] : memref<10240x128xf32, #tpu.memory_space<vmem_shared>> -> memref<10240x128xf32, #tpu.memory_space<vmem_shared>>
        tpu.enqueue_indirect_dma source(%arg9 : memref<128x128xf32, #tpu.memory_space<vmem>>) target(%dma_start3A_25 : memref<10240x128xf32, #tpu.memory_space<vmem_shared>>) offsets(%arg8 : memref<128xi32, #tpu.memory_space<vmem>>) semaphore(%run_scoped3A : memref<!tpu.dma_semaphore, #tpu.memory_space<semaphore_mem>>) {add = true}
        %dma_wait3A_26 = arith.constant 0 : i32
        %dma_wait3A_27 = arith.constant 0 : i32
        %dma_wait3A_28 = tpu.memref_slice %arg11[%dma_wait3A_26, %dma_wait3A_27] : memref<10240x128xf32, #tpu.memory_space<vmem_shared>> -> memref<10240x128xf32, #tpu.memory_space<vmem_shared>>
        tpu.wait_indirect_dma semaphore(%run_scoped3A : memref<!tpu.dma_semaphore, #tpu.memory_space<semaphore_mem>>) src(%arg9 : memref<128x128xf32, #tpu.memory_space<vmem>>) dst(%dma_wait3A_28 : memref<10240x128xf32, #tpu.memory_space<vmem_shared>>)
        tpu.yield
      }) : () -> ()
    }
    %scan3A_9 = arith.constant 79 : i32
    %barrier3A_10 = arith.constant 0 : index
    tpu.barrier barrier_id(%barrier3A_10)
    %mul3A_11 = arith.constant 640 : i32
    %mul3A_12 = arith.muli %arg1, %mul3A_11 : i32
    %mul3A_13 = arith.constant 640 : i32
    %mul3A_14 = arith.muli %arg1, %mul3A_13 : i32
    "tpu.region"() ({
      %run_scoped3A = tpu.sem_alloc : memref<!tpu.dma_semaphore, #tpu.memory_space<semaphore_mem>>
      %dma_start3A = arith.constant 0 : i32
      %dma_start3A_15 = tpu.memref_slice %arg6[%arg0, %mul3A_14, %dma_start3A] : memref<2x10240x128xf32, #tpu.memory_space<hbm>> -> memref<1x640x128xf32, #tpu.memory_space<hbm>>
      %dma_start3A_16 = tpu.memref_squeeze %dma_start3A_15 : memref<1x640x128xf32, #tpu.memory_space<hbm>> -> memref<640x128xf32, #tpu.memory_space<hbm>>
      %dma_start3A_17 = arith.constant 0 : i32
      %dma_start3A_18 = tpu.memref_slice %arg11[%mul3A_12, %dma_start3A_17] : memref<10240x128xf32, #tpu.memory_space<vmem_shared>> -> memref<640x128xf32, #tpu.memory_space<vmem_shared>>
      tpu.enqueue_dma source(%dma_start3A_18 : memref<640x128xf32, #tpu.memory_space<vmem_shared>>) target(%dma_start3A_16 : memref<640x128xf32, #tpu.memory_space<hbm>>) target_semaphore(%run_scoped3A : memref<!tpu.dma_semaphore, #tpu.memory_space<semaphore_mem>>)
      %dma_wait3A = arith.constant 0 : i32
      %dma_wait3A_19 = tpu.memref_slice %arg6[%arg0, %mul3A_14, %dma_wait3A] : memref<2x10240x128xf32, #tpu.memory_space<hbm>> -> memref<1x640x128xf32, #tpu.memory_space<hbm>>
      %dma_wait3A_20 = tpu.memref_squeeze %dma_wait3A_19 : memref<1x640x128xf32, #tpu.memory_space<hbm>> -> memref<640x128xf32, #tpu.memory_space<hbm>>
      %dma_wait3A_21 = arith.constant 0 : i32
      %dma_wait3A_22 = tpu.memref_slice %arg11[%mul3A_12, %dma_wait3A_21] : memref<10240x128xf32, #tpu.memory_space<vmem_shared>> -> memref<640x128xf32, #tpu.memory_space<vmem_shared>>
      tpu.wait_dma2 semaphore(%run_scoped3A : memref<!tpu.dma_semaphore, #tpu.memory_space<semaphore_mem>>) src(%dma_wait3A_22 : memref<640x128xf32, #tpu.memory_space<vmem_shared>>) dst(%dma_wait3A_20 : memref<640x128xf32, #tpu.memory_space<hbm>>)
      tpu.yield
    }) : () -> ()
    return
  }
}

#map = affine_map<(d0, d1) -> (0, 0)>
#map1 = affine_map<(d0, d1) -> (0)>
#map2 = affine_map<(d0, d1) -> (0, 0, 0)>
module attributes {stable_mosaic.version = 14 : i64} {
  func.func @_agg_kernel(%arg0: i32, %arg1: i32, %arg2: memref<10000x128xf32, #tpu.memory_space<hbm>>, %arg3: memref<323584xi32, #tpu.memory_space<hbm>>, %arg4: memref<323584xi32, #tpu.memory_space<hbm>>, %arg5: memref<640x128xf32, #tpu.memory_space<hbm>>, %arg6: memref<2x10240x128xf32, #tpu.memory_space<hbm>>, %arg7: memref<128xi32, #tpu.memory_space<vmem>>, %arg8: memref<128xi32, #tpu.memory_space<vmem>>, %arg9: memref<128x128xf32, #tpu.memory_space<vmem>>, %arg10: memref<!tpu.dma_semaphore, #tpu.memory_space<semaphore_mem>>, %arg11: memref<10240x128xf32, #tpu.memory_space<vmem_shared>>) attributes {dimension_semantics = [#tpu.dimension_semantics<core_parallel>, #tpu.dimension_semantics<subcore_parallel>], iteration_bounds = array<i64: 2, 16>, scalar_prefetch = 0 : i64, scratch_operands = 5 : i64, tpu.core_type = #tpu.core_type<sc_vector_subcore>, window_params = [{transform_indices = #map}, {transform_indices = #map1}, {transform_indices = #map1}, {transform_indices = #map}, {transform_indices = #map2}]} {
    %mul3A = arith.constant 16 : i32
    %mul3A_0 = arith.muli %arg0, %mul3A : i32
    %add3A = arith.addi %mul3A_0, %arg1 : i32
    %mul3A_1 = arith.constant 640 : i32
    %mul3A_2 = arith.muli %arg1, %mul3A_1 : i32
    "tpu.region"() ({
      %run_scoped3A = tpu.sem_alloc : memref<!tpu.dma_semaphore, #tpu.memory_space<semaphore_mem>>
      %dma_start3A = arith.constant 0 : i32
      %dma_start3A_15 = tpu.memref_slice %arg11[%mul3A_2, %dma_start3A] : memref<10240x128xf32, #tpu.memory_space<vmem_shared>> -> memref<640x128xf32, #tpu.memory_space<vmem_shared>>
      tpu.enqueue_dma source(%arg5 : memref<640x128xf32, #tpu.memory_space<hbm>>) target(%dma_start3A_15 : memref<640x128xf32, #tpu.memory_space<vmem_shared>>) target_semaphore(%run_scoped3A : memref<!tpu.dma_semaphore, #tpu.memory_space<semaphore_mem>>)
      %dma_wait3A = arith.constant 0 : i32
      %dma_wait3A_16 = tpu.memref_slice %arg11[%mul3A_2, %dma_wait3A] : memref<10240x128xf32, #tpu.memory_space<vmem_shared>> -> memref<640x128xf32, #tpu.memory_space<vmem_shared>>
      tpu.wait_dma2 semaphore(%run_scoped3A : memref<!tpu.dma_semaphore, #tpu.memory_space<semaphore_mem>>) src(%arg5 : memref<640x128xf32, #tpu.memory_space<hbm>>) dst(%dma_wait3A_16 : memref<640x128xf32, #tpu.memory_space<vmem_shared>>)
      tpu.yield
    }) : () -> ()
    %barrier3A = arith.constant 0 : index
    tpu.barrier barrier_id(%barrier3A)
    %mul3A_3 = arith.constant 10112 : i32
    %mul3A_4 = arith.muli %add3A, %mul3A_3 : i32
    %scan3A = arith.constant 0 : i32
    %scan3A_5 = arith.constant 0 : i32
    %scan3A_6 = arith.constant 79 : i32
    %scan3A_7 = arith.addi %scan3A_5, %scan3A_6 : i32
    %scan3A_8 = arith.constant 1 : i32
    scf.for %scan3A_15 = %scan3A_5 to %scan3A_7 step %scan3A_8  : i32 {
      %mul3A_16 = arith.constant 128 : i32
      %mul3A_17 = arith.muli %scan3A_15, %mul3A_16 : i32
      %add3A_18 = arith.addi %mul3A_4, %mul3A_17 : i32
      "tpu.region"() ({
        %run_scoped3A = tpu.sem_alloc : memref<!tpu.dma_semaphore, #tpu.memory_space<semaphore_mem>>
        %dma_start3A_23 = tpu.memref_slice %arg3[%add3A_18] : memref<323584xi32, #tpu.memory_space<hbm>> -> memref<128xi32, #tpu.memory_space<hbm>>
        %dma_start3A_24 = tpu.memref_slice %arg3[%add3A_18] : memref<323584xi32, #tpu.memory_space<hbm>> -> memref<128xi32, #tpu.memory_space<hbm>>
        tpu.enqueue_dma source(%dma_start3A_24 : memref<128xi32, #tpu.memory_space<hbm>>) target(%arg7 : memref<128xi32, #tpu.memory_space<vmem>>) target_semaphore(%run_scoped3A : memref<!tpu.dma_semaphore, #tpu.memory_space<semaphore_mem>>)
        %dma_wait3A_25 = tpu.memref_slice %arg3[%add3A_18] : memref<323584xi32, #tpu.memory_space<hbm>> -> memref<128xi32, #tpu.memory_space<hbm>>
        %dma_wait3A_26 = tpu.memref_slice %arg3[%add3A_18] : memref<323584xi32, #tpu.memory_space<hbm>> -> memref<128xi32, #tpu.memory_space<hbm>>
        tpu.wait_dma2 semaphore(%run_scoped3A : memref<!tpu.dma_semaphore, #tpu.memory_space<semaphore_mem>>) src(%dma_wait3A_26 : memref<128xi32, #tpu.memory_space<hbm>>) dst(%arg7 : memref<128xi32, #tpu.memory_space<vmem>>)
        tpu.yield
      }) : () -> ()
      "tpu.region"() ({
        %run_scoped3A = tpu.sem_alloc : memref<!tpu.dma_semaphore, #tpu.memory_space<semaphore_mem>>
        %dma_start3A_23 = tpu.memref_slice %arg4[%add3A_18] : memref<323584xi32, #tpu.memory_space<hbm>> -> memref<128xi32, #tpu.memory_space<hbm>>
        %dma_start3A_24 = tpu.memref_slice %arg4[%add3A_18] : memref<323584xi32, #tpu.memory_space<hbm>> -> memref<128xi32, #tpu.memory_space<hbm>>
        tpu.enqueue_dma source(%dma_start3A_24 : memref<128xi32, #tpu.memory_space<hbm>>) target(%arg8 : memref<128xi32, #tpu.memory_space<vmem>>) target_semaphore(%run_scoped3A : memref<!tpu.dma_semaphore, #tpu.memory_space<semaphore_mem>>)
        %dma_wait3A_25 = tpu.memref_slice %arg4[%add3A_18] : memref<323584xi32, #tpu.memory_space<hbm>> -> memref<128xi32, #tpu.memory_space<hbm>>
        %dma_wait3A_26 = tpu.memref_slice %arg4[%add3A_18] : memref<323584xi32, #tpu.memory_space<hbm>> -> memref<128xi32, #tpu.memory_space<hbm>>
        tpu.wait_dma2 semaphore(%run_scoped3A : memref<!tpu.dma_semaphore, #tpu.memory_space<semaphore_mem>>) src(%dma_wait3A_26 : memref<128xi32, #tpu.memory_space<hbm>>) dst(%arg8 : memref<128xi32, #tpu.memory_space<vmem>>)
        tpu.yield
      }) : () -> ()
      %dma_start3A = arith.constant 0 : i32
      %dma_start3A_19 = arith.constant 0 : i32
      %dma_start3A_20 = tpu.memref_slice %arg2[%dma_start3A, %dma_start3A_19] : memref<10000x128xf32, #tpu.memory_space<hbm>> -> memref<10000x128xf32, #tpu.memory_space<hbm>>
      tpu.enqueue_indirect_dma source(%dma_start3A_20 : memref<10000x128xf32, #tpu.memory_space<hbm>>) target(%arg9 : memref<128x128xf32, #tpu.memory_space<vmem>>) offsets(%arg7 : memref<128xi32, #tpu.memory_space<vmem>>) semaphore(%arg10 : memref<!tpu.dma_semaphore, #tpu.memory_space<semaphore_mem>>)
      %dma_wait3A = arith.constant 0 : i32
      %dma_wait3A_21 = arith.constant 0 : i32
      %dma_wait3A_22 = tpu.memref_slice %arg2[%dma_wait3A, %dma_wait3A_21] : memref<10000x128xf32, #tpu.memory_space<hbm>> -> memref<10000x128xf32, #tpu.memory_space<hbm>>
      tpu.wait_indirect_dma semaphore(%arg10 : memref<!tpu.dma_semaphore, #tpu.memory_space<semaphore_mem>>) src(%dma_wait3A_22 : memref<10000x128xf32, #tpu.memory_space<hbm>>) dst(%arg9 : memref<128x128xf32, #tpu.memory_space<vmem>>)
      "tpu.region"() ({
        %run_scoped3A = tpu.sem_alloc : memref<!tpu.dma_semaphore, #tpu.memory_space<semaphore_mem>>
        %dma_start3A_23 = arith.constant 0 : i32
        %dma_start3A_24 = arith.constant 0 : i32
        %dma_start3A_25 = tpu.memref_slice %arg11[%dma_start3A_23, %dma_start3A_24] : memref<10240x128xf32, #tpu.memory_space<vmem_shared>> -> memref<10240x128xf32, #tpu.memory_space<vmem_shared>>
        tpu.enqueue_indirect_dma source(%arg9 : memref<128x128xf32, #tpu.memory_space<vmem>>) target(%dma_start3A_25 : memref<10240x128xf32, #tpu.memory_space<vmem_shared>>) offsets(%arg8 : memref<128xi32, #tpu.memory_space<vmem>>) semaphore(%run_scoped3A : memref<!tpu.dma_semaphore, #tpu.memory_space<semaphore_mem>>) {add = true}
        %dma_wait3A_26 = arith.constant 0 : i32
        %dma_wait3A_27 = arith.constant 0 : i32
        %dma_wait3A_28 = tpu.memref_slice %arg11[%dma_wait3A_26, %dma_wait3A_27] : memref<10240x128xf32, #tpu.memory_space<vmem_shared>> -> memref<10240x128xf32, #tpu.memory_space<vmem_shared>>
        tpu.wait_indirect_dma semaphore(%run_scoped3A : memref<!tpu.dma_semaphore, #tpu.memory_space<semaphore_mem>>) src(%arg9 : memref<128x128xf32, #tpu.memory_space<vmem>>) dst(%dma_wait3A_28 : memref<10240x128xf32, #tpu.memory_space<vmem_shared>>)
        tpu.yield
      }) : () -> ()
    }
    %scan3A_9 = arith.constant 79 : i32
    %barrier3A_10 = arith.constant 0 : index
    tpu.barrier barrier_id(%barrier3A_10)
    %mul3A_11 = arith.constant 640 : i32
    %mul3A_12 = arith.muli %arg1, %mul3A_11 : i32
    %mul3A_13 = arith.constant 640 : i32
    %mul3A_14 = arith.muli %arg1, %mul3A_13 : i32
    "tpu.region"() ({
      %run_scoped3A = tpu.sem_alloc : memref<!tpu.dma_semaphore, #tpu.memory_space<semaphore_mem>>
      %dma_start3A = arith.constant 0 : i32
      %dma_start3A_15 = tpu.memref_slice %arg6[%arg0, %mul3A_14, %dma_start3A] : memref<2x10240x128xf32, #tpu.memory_space<hbm>> -> memref<1x640x128xf32, #tpu.memory_space<hbm>>
      %dma_start3A_16 = tpu.memref_squeeze %dma_start3A_15 : memref<1x640x128xf32, #tpu.memory_space<hbm>> -> memref<640x128xf32, #tpu.memory_space<hbm>>
      %dma_start3A_17 = arith.constant 0 : i32
      %dma_start3A_18 = tpu.memref_slice %arg11[%mul3A_12, %dma_start3A_17] : memref<10240x128xf32, #tpu.memory_space<vmem_shared>> -> memref<640x128xf32, #tpu.memory_space<vmem_shared>>
      tpu.enqueue_dma source(%dma_start3A_18 : memref<640x128xf32, #tpu.memory_space<vmem_shared>>) target(%dma_start3A_16 : memref<640x128xf32, #tpu.memory_space<hbm>>) target_semaphore(%run_scoped3A : memref<!tpu.dma_semaphore, #tpu.memory_space<semaphore_mem>>)
      %dma_wait3A = arith.constant 0 : i32
      %dma_wait3A_19 = tpu.memref_slice %arg6[%arg0, %mul3A_14, %dma_wait3A] : memref<2x10240x128xf32, #tpu.memory_space<hbm>> -> memref<1x640x128xf32, #tpu.memory_space<hbm>>
      %dma_wait3A_20 = tpu.memref_squeeze %dma_wait3A_19 : memref<1x640x128xf32, #tpu.memory_space<hbm>> -> memref<640x128xf32, #tpu.memory_space<hbm>>
      %dma_wait3A_21 = arith.constant 0 : i32
      %dma_wait3A_22 = tpu.memref_slice %arg11[%mul3A_12, %dma_wait3A_21] : memref<10240x128xf32, #tpu.memory_space<vmem_shared>> -> memref<640x128xf32, #tpu.memory_space<vmem_shared>>
      tpu.wait_dma2 semaphore(%run_scoped3A : memref<!tpu.dma_semaphore, #tpu.memory_space<semaphore_mem>>) src(%dma_wait3A_22 : memref<640x128xf32, #tpu.memory_space<vmem_shared>>) dst(%dma_wait3A_20 : memref<640x128xf32, #tpu.memory_space<hbm>>)
      tpu.yield
    }) : () -> ()
    return
  }
}

module attributes {stable_mosaic.version = 14 : i64} {
  func.func @_mm_scale_body(%arg0: i32, %arg1: memref<2000x128xf32, #tpu.memory_space<vmem>>, %arg2: memref<128x128xf32, #tpu.memory_space<vmem>>, %arg3: memref<2000x16xf32, #tpu.memory_space<vmem>>, %arg4: memref<2000x16xf32, #tpu.memory_space<vmem>>, %arg5: memref<2000x128xf32, #tpu.memory_space<vmem>>) attributes {dimension_semantics = [#tpu.dimension_semantics<arbitrary>], iteration_bounds = array<i64: 5>, scalar_prefetch = 0 : i64, scratch_operands = 0 : i64, tpu.core_type = #tpu.core_type<tc>, window_params = [{transform_indices = @transform_0, window_bounds = array<i64: 2000, 128>}, {pipeline_mode = #tpu.pipeline_mode<synchronous>, transform_indices = @transform_1, window_bounds = array<i64: 128, 128>}, {transform_indices = @transform_2, window_bounds = array<i64: 2000, 16>}, {transform_indices = @transform_3, window_bounds = array<i64: 2000, 16>}, {transform_indices = @transform_4, window_bounds = array<i64: 2000, 128>}]} {
    %get3A = arith.constant 0 : index
    %get3A_0 = arith.constant 0 : index
    %get3A_1 = vector.load %arg3[%get3A, %get3A_0] : memref<2000x16xf32, #tpu.memory_space<vmem>>, vector<2000x1xf32>
    %get3A_2 = arith.constant 0 : index
    %get3A_3 = arith.constant 0 : index
    %get3A_4 = vector.load %arg4[%get3A_2, %get3A_3] : memref<2000x16xf32, #tpu.memory_space<vmem>>, vector<2000x1xf32>
    %add3A = arith.addf %get3A_1, %get3A_4 : vector<2000x1xf32>
    %add3A_5 = arith.constant 1.000000e+00 : f32
    %add3A_6 = vector.broadcast %add3A_5 : f32 to vector<2000x1xf32>
    %add3A_7 = arith.addf %add3A, %add3A_6 : vector<2000x1xf32>
    %rsqrt3A = math.rsqrt %add3A_7 : vector<2000x1xf32>
    %get3A_8 = arith.constant 0 : index
    %get3A_9 = arith.constant 0 : index
    %get3A_10 = vector.load %arg1[%get3A_8, %get3A_9] : memref<2000x128xf32, #tpu.memory_space<vmem>>, vector<2000x128xf32>
    %get3A_11 = arith.constant 0 : index
    %get3A_12 = arith.constant 0 : index
    %get3A_13 = vector.load %arg2[%get3A_11, %get3A_12] : memref<128x128xf32, #tpu.memory_space<vmem>>, vector<128x128xf32>
    %dot_general3A = arith.constant dense<0.000000e+00> : vector<2000x128xf32>
    %dot_general3A_14 = tpu.matmul %get3A_10, %get3A_13, %dot_general3A {dimension_numbers = #tpu.dot_dimension_numbers<[1], [0], [0], [1], [0, 0, 1, 1], [], []>, transpose_lhs_hint = false} : vector<2000x128xf32>, vector<128x128xf32>, vector<2000x128xf32> -> vector<2000x128xf32>
    %mul3A = vector.broadcast %rsqrt3A : vector<2000x1xf32> to vector<2000x128xf32>
    %mul3A_15 = arith.mulf %dot_general3A_14, %mul3A : vector<2000x128xf32>
    %swap3A = arith.constant 0 : index
    %swap3A_16 = arith.constant 0 : index
    %swap3A_17 = vector.load %arg5[%swap3A, %swap3A_16] : memref<2000x128xf32, #tpu.memory_space<vmem>>, vector<2000x128xf32>
    tpu.vector_store %arg5[%swap3A, %swap3A_16], %mul3A_15 {strides = array<i32>} : memref<2000x128xf32, #tpu.memory_space<vmem>>, vector<2000x128xf32>,
    return
  }
  func.func @transform_0(%arg0: i32) -> (i32, i32) {
    %c0_i32 = arith.constant 0 : i32
    %c0_i32_0 = arith.constant 0 : i32
    return %arg0, %c0_i32 : i32, i32
  }
  func.func @transform_1(%arg0: i32) -> (i32, i32) {
    %c0_i32 = arith.constant 0 : i32
    %c0_i32_0 = arith.constant 0 : i32
    %c0_i32_1 = arith.constant 0 : i32
    return %c0_i32, %c0_i32_0 : i32, i32
  }
  func.func @transform_2(%arg0: i32) -> (i32, i32) {
    %c0_i32 = arith.constant 0 : i32
    %c0_i32_0 = arith.constant 0 : i32
    return %arg0, %c0_i32 : i32, i32
  }
  func.func @transform_3(%arg0: i32) -> (i32, i32) {
    %c0_i32 = arith.constant 0 : i32
    %c0_i32_0 = arith.constant 0 : i32
    return %arg0, %c0_i32 : i32, i32
  }
  func.func @transform_4(%arg0: i32) -> (i32, i32) {
    %c0_i32 = arith.constant 0 : i32
    %c0_i32_0 = arith.constant 0 : i32
    return %arg0, %c0_i32 : i32, i32
  }
}

module attributes {stable_mosaic.version = 14 : i64} {
  func.func @_mid_body(%arg0: i32, %arg1: memref<2x2000x128xf32, #tpu.memory_space<vmem>>, %arg2: memref<2000x128xf32, #tpu.memory_space<vmem>>, %arg3: memref<128x128xf32, #tpu.memory_space<vmem>>, %arg4: memref<1x128xf32, #tpu.memory_space<vmem>>, %arg5: memref<2000x16xf32, #tpu.memory_space<vmem>>, %arg6: memref<2000x16xf32, #tpu.memory_space<vmem>>, %arg7: memref<2000x128xf32, #tpu.memory_space<vmem>>) attributes {dimension_semantics = [#tpu.dimension_semantics<arbitrary>], iteration_bounds = array<i64: 5>, scalar_prefetch = 0 : i64, scratch_operands = 0 : i64, tpu.core_type = #tpu.core_type<tc>, window_params = [{transform_indices = @transform_0, window_bounds = array<i64: 2, 2000, 128>}, {transform_indices = @transform_1, window_bounds = array<i64: 2000, 128>}, {pipeline_mode = #tpu.pipeline_mode<synchronous>, transform_indices = @transform_2, window_bounds = array<i64: 128, 128>}, {pipeline_mode = #tpu.pipeline_mode<synchronous>, transform_indices = @transform_3, window_bounds = array<i64: 1, 128>}, {transform_indices = @transform_4, window_bounds = array<i64: 2000, 16>}, {transform_indices = @transform_5, window_bounds = array<i64: 2000, 16>}, {transform_indices = @transform_6, window_bounds = array<i64: 2000, 128>}]} {
    %get3A = arith.constant 0 : index
    %get3A_0 = arith.constant 0 : index
    %get3A_1 = vector.load %arg5[%get3A, %get3A_0] : memref<2000x16xf32, #tpu.memory_space<vmem>>, vector<2000x1xf32>
    %get3A_2 = arith.constant 0 : index
    %get3A_3 = arith.constant 0 : index
    %get3A_4 = vector.load %arg6[%get3A_2, %get3A_3] : memref<2000x16xf32, #tpu.memory_space<vmem>>, vector<2000x1xf32>
    %add3A = arith.addf %get3A_1, %get3A_4 : vector<2000x1xf32>
    %add3A_5 = arith.constant 1.000000e+00 : f32
    %add3A_6 = vector.broadcast %add3A_5 : f32 to vector<2000x1xf32>
    %add3A_7 = arith.addf %add3A, %add3A_6 : vector<2000x1xf32>
    %rsqrt3A = math.rsqrt %add3A_7 : vector<2000x1xf32>
    %get3A_8 = arith.constant 0 : index
    %get3A_9 = arith.constant 0 : index
    %get3A_10 = arith.constant 0 : index
    %get3A_11 = vector.load %arg1[%get3A_8, %get3A_9, %get3A_10] : memref<2x2000x128xf32, #tpu.memory_space<vmem>>, vector<1x2000x128xf32>
    %get3A_12 = vector.shape_cast %get3A_11 : vector<1x2000x128xf32> to vector<2000x128xf32>
    %get3A_13 = arith.constant 1 : index
    %get3A_14 = arith.constant 0 : index
    %get3A_15 = arith.constant 0 : index
    %get3A_16 = vector.load %arg1[%get3A_13, %get3A_14, %get3A_15] : memref<2x2000x128xf32, #tpu.memory_space<vmem>>, vector<1x2000x128xf32>
    %get3A_17 = vector.shape_cast %get3A_16 : vector<1x2000x128xf32> to vector<2000x128xf32>
    %add3A_18 = arith.addf %get3A_12, %get3A_17 : vector<2000x128xf32>
    %get3A_19 = arith.constant 0 : index
    %get3A_20 = arith.constant 0 : index
    %get3A_21 = vector.load %arg2[%get3A_19, %get3A_20] : memref<2000x128xf32, #tpu.memory_space<vmem>>, vector<2000x128xf32>
    %add3A_22 = arith.addf %add3A_18, %get3A_21 : vector<2000x128xf32>
    %mul3A = vector.broadcast %rsqrt3A : vector<2000x1xf32> to vector<2000x128xf32>
    %mul3A_23 = arith.mulf %add3A_22, %mul3A : vector<2000x128xf32>
    %get3A_24 = arith.constant 0 : index
    %get3A_25 = arith.constant 0 : index
    %get3A_26 = vector.load %arg4[%get3A_24, %get3A_25] : memref<1x128xf32, #tpu.memory_space<vmem>>, vector<1x128xf32>
    %add3A_27 = vector.broadcast %get3A_26 : vector<1x128xf32> to vector<2000x128xf32>
    %add3A_28 = arith.addf %mul3A_23, %add3A_27 : vector<2000x128xf32>
    %max3A = arith.constant 0.000000e+00 : f32
    %max3A_29 = vector.broadcast %max3A : f32 to vector<2000x128xf32>
    %max3A_30 = arith.maximumf %add3A_28, %max3A_29 : vector<2000x128xf32>
    %get3A_31 = arith.constant 0 : index
    %get3A_32 = arith.constant 0 : index
    %get3A_33 = vector.load %arg3[%get3A_31, %get3A_32] : memref<128x128xf32, #tpu.memory_space<vmem>>, vector<128x128xf32>
    %dot_general3A = arith.constant dense<0.000000e+00> : vector<2000x128xf32>
    %dot_general3A_34 = tpu.matmul %max3A_30, %get3A_33, %dot_general3A {dimension_numbers = #tpu.dot_dimension_numbers<[1], [0], [0], [1], [0, 0, 1, 1], [], []>, transpose_lhs_hint = false} : vector<2000x128xf32>, vector<128x128xf32>, vector<2000x128xf32> -> vector<2000x128xf32>
    %mul3A_35 = vector.broadcast %rsqrt3A : vector<2000x1xf32> to vector<2000x128xf32>
    %mul3A_36 = arith.mulf %dot_general3A_34, %mul3A_35 : vector<2000x128xf32>
    %swap3A = arith.constant 0 : index
    %swap3A_37 = arith.constant 0 : index
    %swap3A_38 = vector.load %arg7[%swap3A, %swap3A_37] : memref<2000x128xf32, #tpu.memory_space<vmem>>, vector<2000x128xf32>
    tpu.vector_store %arg7[%swap3A, %swap3A_37], %mul3A_36 {strides = array<i32>} : memref<2000x128xf32, #tpu.memory_space<vmem>>, vector<2000x128xf32>,
    return
  }
  func.func @transform_0(%arg0: i32) -> (i32, i32, i32) {
    %c0_i32 = arith.constant 0 : i32
    %c0_i32_0 = arith.constant 0 : i32
    %c0_i32_1 = arith.constant 0 : i32
    return %c0_i32, %arg0, %c0_i32_0 : i32, i32, i32
  }
  func.func @transform_1(%arg0: i32) -> (i32, i32) {
    %c0_i32 = arith.constant 0 : i32
    %c0_i32_0 = arith.constant 0 : i32
    return %arg0, %c0_i32 : i32, i32
  }
  func.func @transform_2(%arg0: i32) -> (i32, i32) {
    %c0_i32 = arith.constant 0 : i32
    %c0_i32_0 = arith.constant 0 : i32
    %c0_i32_1 = arith.constant 0 : i32
    return %c0_i32, %c0_i32_0 : i32, i32
  }
  func.func @transform_3(%arg0: i32) -> (i32, i32) {
    %c0_i32 = arith.constant 0 : i32
    %c0_i32_0 = arith.constant 0 : i32
    %c0_i32_1 = arith.constant 0 : i32
    return %c0_i32, %c0_i32_0 : i32, i32
  }
  func.func @transform_4(%arg0: i32) -> (i32, i32) {
    %c0_i32 = arith.constant 0 : i32
    %c0_i32_0 = arith.constant 0 : i32
    return %arg0, %c0_i32 : i32, i32
  }
  func.func @transform_5(%arg0: i32) -> (i32, i32) {
    %c0_i32 = arith.constant 0 : i32
    %c0_i32_0 = arith.constant 0 : i32
    return %arg0, %c0_i32 : i32, i32
  }
  func.func @transform_6(%arg0: i32) -> (i32, i32) {
    %c0_i32 = arith.constant 0 : i32
    %c0_i32_0 = arith.constant 0 : i32
    return %arg0, %c0_i32 : i32, i32
  }
}

module attributes {stable_mosaic.version = 14 : i64} {
  func.func @_final_body(%arg0: i32, %arg1: memref<2x2000x128xf32, #tpu.memory_space<vmem>>, %arg2: memref<2000x128xf32, #tpu.memory_space<vmem>>, %arg3: memref<1x128xf32, #tpu.memory_space<vmem>>, %arg4: memref<2000x16xf32, #tpu.memory_space<vmem>>, %arg5: memref<2000x16xf32, #tpu.memory_space<vmem>>, %arg6: memref<2000x128xf32, #tpu.memory_space<vmem>>) attributes {dimension_semantics = [#tpu.dimension_semantics<arbitrary>], iteration_bounds = array<i64: 5>, scalar_prefetch = 0 : i64, scratch_operands = 0 : i64, tpu.core_type = #tpu.core_type<tc>, window_params = [{transform_indices = @transform_0, window_bounds = array<i64: 2, 2000, 128>}, {transform_indices = @transform_1, window_bounds = array<i64: 2000, 128>}, {pipeline_mode = #tpu.pipeline_mode<synchronous>, transform_indices = @transform_2, window_bounds = array<i64: 1, 128>}, {transform_indices = @transform_3, window_bounds = array<i64: 2000, 16>}, {transform_indices = @transform_4, window_bounds = array<i64: 2000, 16>}, {transform_indices = @transform_5, window_bounds = array<i64: 2000, 128>}]} {
    %get3A = arith.constant 0 : index
    %get3A_0 = arith.constant 0 : index
    %get3A_1 = vector.load %arg4[%get3A, %get3A_0] : memref<2000x16xf32, #tpu.memory_space<vmem>>, vector<2000x1xf32>
    %get3A_2 = arith.constant 0 : index
    %get3A_3 = arith.constant 0 : index
    %get3A_4 = vector.load %arg5[%get3A_2, %get3A_3] : memref<2000x16xf32, #tpu.memory_space<vmem>>, vector<2000x1xf32>
    %add3A = arith.addf %get3A_1, %get3A_4 : vector<2000x1xf32>
    %add3A_5 = arith.constant 1.000000e+00 : f32
    %add3A_6 = vector.broadcast %add3A_5 : f32 to vector<2000x1xf32>
    %add3A_7 = arith.addf %add3A, %add3A_6 : vector<2000x1xf32>
    %rsqrt3A = math.rsqrt %add3A_7 : vector<2000x1xf32>
    %get3A_8 = arith.constant 0 : index
    %get3A_9 = arith.constant 0 : index
    %get3A_10 = arith.constant 0 : index
    %get3A_11 = vector.load %arg1[%get3A_8, %get3A_9, %get3A_10] : memref<2x2000x128xf32, #tpu.memory_space<vmem>>, vector<1x2000x128xf32>
    %get3A_12 = vector.shape_cast %get3A_11 : vector<1x2000x128xf32> to vector<2000x128xf32>
    %get3A_13 = arith.constant 1 : index
    %get3A_14 = arith.constant 0 : index
    %get3A_15 = arith.constant 0 : index
    %get3A_16 = vector.load %arg1[%get3A_13, %get3A_14, %get3A_15] : memref<2x2000x128xf32, #tpu.memory_space<vmem>>, vector<1x2000x128xf32>
    %get3A_17 = vector.shape_cast %get3A_16 : vector<1x2000x128xf32> to vector<2000x128xf32>
    %add3A_18 = arith.addf %get3A_12, %get3A_17 : vector<2000x128xf32>
    %get3A_19 = arith.constant 0 : index
    %get3A_20 = arith.constant 0 : index
    %get3A_21 = vector.load %arg2[%get3A_19, %get3A_20] : memref<2000x128xf32, #tpu.memory_space<vmem>>, vector<2000x128xf32>
    %add3A_22 = arith.addf %add3A_18, %get3A_21 : vector<2000x128xf32>
    %mul3A = vector.broadcast %rsqrt3A : vector<2000x1xf32> to vector<2000x128xf32>
    %mul3A_23 = arith.mulf %add3A_22, %mul3A : vector<2000x128xf32>
    %get3A_24 = arith.constant 0 : index
    %get3A_25 = arith.constant 0 : index
    %get3A_26 = vector.load %arg3[%get3A_24, %get3A_25] : memref<1x128xf32, #tpu.memory_space<vmem>>, vector<1x128xf32>
    %add3A_27 = vector.broadcast %get3A_26 : vector<1x128xf32> to vector<2000x128xf32>
    %add3A_28 = arith.addf %mul3A_23, %add3A_27 : vector<2000x128xf32>
    %max3A = arith.constant 0.000000e+00 : f32
    %max3A_29 = vector.broadcast %max3A : f32 to vector<2000x128xf32>
    %max3A_30 = arith.maximumf %add3A_28, %max3A_29 : vector<2000x128xf32>
    %swap3A = arith.constant 0 : index
    %swap3A_31 = arith.constant 0 : index
    %swap3A_32 = vector.load %arg6[%swap3A, %swap3A_31] : memref<2000x128xf32, #tpu.memory_space<vmem>>, vector<2000x128xf32>
    tpu.vector_store %arg6[%swap3A, %swap3A_31], %max3A_30 {strides = array<i32>} : memref<2000x128xf32, #tpu.memory_space<vmem>>, vector<2000x128xf32>,
    return
  }
  func.func @transform_0(%arg0: i32) -> (i32, i32, i32) {
    %c0_i32 = arith.constant 0 : i32
    %c0_i32_0 = arith.constant 0 : i32
    %c0_i32_1 = arith.constant 0 : i32
    return %c0_i32, %arg0, %c0_i32_0 : i32, i32, i32
  }
  func.func @transform_1(%arg0: i32) -> (i32, i32) {
    %c0_i32 = arith.constant 0 : i32
    %c0_i32_0 = arith.constant 0 : i32
    return %arg0, %c0_i32 : i32, i32
  }
  func.func @transform_2(%arg0: i32) -> (i32, i32) {
    %c0_i32 = arith.constant 0 : i32
    %c0_i32_0 = arith.constant 0 : i32
    %c0_i32_1 = arith.constant 0 : i32
    return %c0_i32, %c0_i32_0 : i32, i32
  }
  func.func @transform_3(%arg0: i32) -> (i32, i32) {
    %c0_i32 = arith.constant 0 : i32
    %c0_i32_0 = arith.constant 0 : i32
    return %arg0, %c0_i32 : i32, i32
  }
  func.func @transform_4(%arg0: i32) -> (i32, i32) {
    %c0_i32 = arith.constant 0 : i32
    %c0_i32_0 = arith.constant 0 : i32
    return %arg0, %c0_i32 : i32, i32
  }
  func.func @transform_5(%arg0: i32) -> (i32, i32) {
    %c0_i32 = arith.constant 0 : i32
    %c0_i32_0 = arith.constant 0 : i32
    return %arg0, %c0_i32 : i32, i32
  }
}

</mosaic_0001>

<sc_bundles>
// kernel: kernel.11.cloned.1.call-start
scs
__scs_entry_jumppad:
0x0: {  	(pc) =	sbr.rel $0x88, $3  }
0x1: {  	(tag) =	ssettag $0x0;
	lr =	simm.s32 $0x1  }
0x2: {  	[smem:$0x3F9B] =	sst lr;
	_ =	strace $0xD0000000  }
0x3: {  	_ = 	snop  }
0x4: {  	_ = 	snop  }
0x5: {  	_ = 	snop  }
0x6: {  	_ = 	snop  }
0x7: {  	_ = 	snop  }
__scs_overlays_trampoline_lowered:
0x8: {  	[smem:$0x3FAA] =	sst s0  }
0x9: {  	[smem:$0x3FAB] =	sst s1  }
0xa: {  	[smem:$0x3FAC] =	sst s2  }
0xb: {  	[smem:$0x3FAD] =	sst s3  }
0xc: {  	[smem:$0x3FAE] =	sst s4  }
0xd: {  	[smem:$0x3FAF] =	sst s5  }
0xe: {  	[smem:$0x3FB0] =	sst s6  }
0xf: {  	[smem:$0x3FB1] =	sst s7  }
0x10: {  	[smem:$0x3FB2] =	sst s8  }
0x11: {  	[smem:$0x3FB3] =	sst s9;
	s0 =	simm.s32 @!p0 $0x0  }
0x12: {  	s1 =	sld [smem:$0x3F99];
	s0 =	simm.s32 @p0 $0x1  }
0x13: {  	[smem:$0x3FB4] =	sst s0;
	s0 =	simm.s32 @!p1 $0x0  }
0x14: {  	s2 =	sld [smem:$0x3F98];
	s0 =	simm.s32 @p1 $0x1  }
0x15: {  	[smem:$0x3FB5] =	sst s0;
	s0 =	simm.s32 @!p2 $0x0  }
0x16: {  	s3 =	sld [smem:$0x3FDB];
	s0 =	simm.s32 @p2 $0x1  }
0x17: {  	s4 =	simm.s32 $0x1BF5;
	[smem:$0x3FB7] =	sst s0  }
0x18: {  	s0 =	sld [smem:$0x3F9A];
	_ =	swait.ge [sflag:s4], $0x0  }
0x19: {  	s7 =	sld [smem:$0x3F9B]  }
0x1a: {  	s8 =	sadd.s32 $0xFFFFE003, lr  }
0x1b: {  	s9 =	sadd.s32 $0xFFFFFEF7, lr;
	s5 =	simm.s32 $0xFFFFFFFF;
	p2 =	slt.u32 s8, $0xFFFFF086  }
0x1c: {  	p1 =	slt.u32 s9, $0xF7A;
	s5 =	simm.s32 @!p2 $0x0  }
0x1d: {  	s5 =	simm.s32 @p1 $0x1;
	p0 =	seq.s32 s7, s2  }
0x1e: {  	s7 =	smul.u32 @!p0 $0xF7A, s2;
	p2 =	seq.s32 @!p0 s5, $0x0  }
0x1f: {  	s9 =	smul.u32 $0xF7A, s1;
	s8 =	simm.s32 @!p0 $0x1BF5;
	p2 =	por !p2, p0  }
0x20: {  	[sflag:s8] =	ssyncset.s32 @!p0 $0xFFFFF086;
	s6 =	sadd.s32 @!p0 s3, s7;
	s7 =	simm.s32 @!p0 $0x108  }
0x21: {  	s3 =	sadd.s32 s3, s9;
	s6 =	sadd.s32 @!p0 $0x88, s6;
	s7 =	simm.s32 @p2 $0x1082  }
0x22: {  	[simem:s7], [sflag:s8] =	dma.local @!p0 [hbm:s6], $0xF7A  }
0x23: {  	s9 =	sor.u32 $0xD0000000, s2;
	s6 =	simm.s32 $0x108;
	_ =	swait.ge @!p0 [sflag:s8], $0x0  }
0x24: {  	s3 =	sadd.s32 $0x88, s3;
	s6 =	simm.s32 @!p1 $0x1082;
	[sflag:s4] =	ssyncset.s32 $0xFFFFF086  }
0x25: {  	[simem:s6], [sflag:s4] =	dma.local [hbm:s3], $0xF7A  }
0x26: {  	[smem:$0x3F9B] =	sst s1;
	(tag) =	ssettag s2;
	_ =	strace s9  }
0x27: {  	s1 =	sld [smem:$0x3FAB]  }
0x28: {  	s2 =	sld [smem:$0x3FAC]  }
0x29: {  	s4 =	sld [smem:$0x3FAE]  }
0x2a: {  	p0 =	seq.s32 s5, $0x0;
	s5 =	sld [smem:$0x3FAF]  }
0x2b: {  	s6 =	sld [smem:$0x3FB0]  }
0x2c: {  	s7 =	sld [smem:$0x3FB1]  }
0x2d: {  	s3 =	simm.s32 $0x108;
	s8 =	sld [smem:$0x3FB2]  }
0x2e: {  	s3 =	simm.s32 @!p0 $0x1082;
	s9 =	sld [smem:$0x3FB3]  }
0x2f: {  	lr =	sadd.s32 s0, s3;
	s0 =	sld [smem:$0x3FAA]  }
0x30: {  	s3 =	sld [smem:$0x3FAD]  }
0x31: {  	[smem:$0x3FB6] =	sst s10  }
0x32: {  	s10 =	sld [smem:$0x3FB4];
	_ =	sdelay $0x3  }
0x33: {  	p0 =	seq.s32 s10, $0x1;
	s10 =	sld [smem:$0x3FB6];
	_ =	sdelay $0x3  }
0x34: {  	[smem:$0x3FB6] =	sst s10  }
0x35: {  	s10 =	sld [smem:$0x3FB5];
	_ =	sdelay $0x3  }
0x36: {  	p1 =	seq.s32 s10, $0x1;
	s10 =	sld [smem:$0x3FB6];
	_ =	sdelay $0x3  }
0x37: {  	[smem:$0x3FB6] =	sst s10  }
0x38: {  	s10 =	sld [smem:$0x3FB7]  }
0x39: {  	_ = 	snop;
	(pc) =	sbr.ind lr, $3  }
0x3a: {  	_ = 	snop  }
0x3b: {  	_ = 	snop  }
0x3c: {  	p2 =	seq.s32 s10, $0x1;
	s10 =	sld [smem:$0x3FB6]  }
0x3d: {  	_ =	shalt  }
0x3e: {  	_ =	shalt  }
0x3f: {  	_ =	shalt  }
0x40: {  	_ =	shalt  }
0x41: {  	_ =	shalt  }
0x42: {  	_ =	shalt  }
0x43: {  	_ =	shalt  }
0x44: {  	_ =	shalt  }
0x45: {  	_ =	shalt  }
0x46: {  	_ =	shalt  }
0x47: {  	_ =	shalt  }
0x48: {  	_ =	shalt  }
0x49: {  	_ =	shalt  }
0x4a: {  	_ =	shalt  }
0x4b: {  	_ =	shalt  }
0x4c: {  	_ =	shalt  }
0x4d: {  	_ =	shalt  }
0x4e: {  	_ =	shalt  }
0x4f: {  	_ =	shalt  }
0x50: {  	_ =	shalt  }
0x51: {  	_ =	shalt  }
0x52: {  	_ =	shalt  }
0x53: {  	_ =	shalt  }
0x54: {  	_ =	shalt  }
0x55: {  	_ =	shalt  }
0x56: {  	_ =	shalt  }
0x57: {  	_ =	shalt  }
0x58: {  	_ =	shalt  }
0x59: {  	_ =	shalt  }
0x5a: {  	_ =	shalt  }
0x5b: {  	_ =	shalt  }
0x5c: {  	_ =	shalt  }
0x5d: {  	_ =	shalt  }
0x5e: {  	_ =	shalt  }
0x5f: {  	_ =	shalt  }
0x60: {  	_ =	shalt  }
0x61: {  	_ =	shalt  }
0x62: {  	_ =	shalt  }
0x63: {  	_ =	shalt  }
0x64: {  	_ =	shalt  }
0x65: {  	_ =	shalt  }
0x66: {  	_ =	shalt  }
0x67: {  	_ =	shalt  }
0x68: {  	_ =	shalt  }
0x69: {  	_ =	shalt  }
0x6a: {  	_ =	shalt  }
0x6b: {  	_ =	shalt  }
0x6c: {  	_ =	shalt  }
0x6d: {  	_ =	shalt  }
0x6e: {  	_ =	shalt  }
0x6f: {  	_ =	shalt  }
0x70: {  	_ =	shalt  }
0x71: {  	_ =	shalt  }
0x72: {  	_ =	shalt  }
0x73: {  	_ =	shalt  }
0x74: {  	_ =	shalt  }
0x75: {  	_ =	shalt  }
0x76: {  	_ =	shalt  }
0x77: {  	_ =	shalt  }
0x78: {  	_ =	shalt  }
0x79: {  	_ =	shalt  }
0x7a: {  	_ =	shalt  }
0x7b: {  	_ =	shalt  }
0x7c: {  	_ =	shalt  }
0x7d: {  	_ =	shalt  }
0x7e: {  	_ =	shalt  }
0x7f: {  	_ =	shalt  }
0x80: {  	_ =	shalt  }
0x81: {  	_ =	shalt  }
0x82: {  	_ =	shalt  }
0x83: {  	_ =	shalt  }
0x84: {  	_ =	shalt  }
0x85: {  	_ =	shalt  }
0x86: {  	_ =	shalt  }
0x87: {  	_ =	shalt  }
.Lfunc_end0:
.L_simem_size_0:
called_computation.1_lowered:
.L_overlay_start_0:
0x88: {  	s2 =	sld [smem:$0x3FD9]  }
0x89: {  	s3 =	sld [smem:$0x3FFE];
	_ =	sdelay $0x1  }
0x8a: {  	s1 =	srdreg.scid  }
0x8b: {  	s0 =	sand.u32 $0x1, s1  }
0x8c: {  	s17 =	sshll.u32 s0, $0xA;
	s2 =	sadd.s32 s3, s2  }
0x8d: {  	s2 =	sadd.s32 s2, s17  }
0x8e: {  	[smem:$0x3FC2] =	sst s2  }
0x8f: {  	_ = 	snop  }
0x90: {  	s2 =	sld [smem:$0x3FD0];
	(tm) =	ssettm $0x1  }
0x91: {  	s18 =	sld [smem:$0x3FFB];
	_ =	sdelay $0x3  }
0x92: {  	_ =	strace s18  }
0x93: {  	s3 =	sld [smem:$0x3FFC];
	_ =	sdelay $0x3  }
0x94: {  	_ =	strace s3  }
0x95: {  	s3 =	sld [smem:$0x3FFD];
	_ =	sdelay $0x3  }
0x96: {  	_ =	strace s3  }
0x97: {  	_ =	strace $0x8FFFFFFF  }
0x98: {  	s19 =	sld [smem:$0x3FDB];
	_ =	sdelay $0x1  }
0x99: {  	s4 =	simm.s32 $_scs_section_size  }
0x9a: {  	s5 =	simm.s32 $_size__tile_overlayer_lowered;
	s6 =	simm.s32 $_tile_overlayer_lowered  }
0x9b: {  	s22 =	simm.s32 $0x1BFF;
	s21 =	sshll.u32 s6, $0x1;
	s3 =	sadd.s32 s4, s19  }
0x9c: {  	s7 =	simm.s32 $0x0;
	s20 =	sshll.u32 s5, $0x1;
	s5 =	sadd.s32 s21, s3  }
0x9d: {  	[timem:s7], [sflag:s22] =	dma.local [hbm:s5], s20  }
0x9e: {  	_ =	swait.ge [sflag:s22], s20  }
0x9f: {  	s4 =	ssub.s32 $0x0, s20;
	[sflag:s22] =	ssyncset.done $0x0  }
0xa0: {  	[sflag:s22] =	ssyncadd.s32 s4;
	_ =	sdelay $0x1  }
0xa1: {  	s23 =	simm.s32 $0x1B8B  }
0xa2: {  	_ =	swait.ge [sflag:s23], $0x1  }
0xa3: {  	[sflag:s23] =	ssyncset.done $0x0  }
0xa4: {  	s25 =	simm.s32 $0x1B8E;
	s24 =	sld [smem:$0x3FFE];
	[sflag:s23] =	ssyncadd.s32 $0xFFFFFFFF  }
0xa5: {  	s26 =	simm.s32 $execute0_lowered;
	[smem:$0x3FD2] =	sst s25  }
0xa6: {  	s5 =	sshll.u32 s26, $0x1;
	_ =	strace $0x80000049;
	[dreg:$0x1] =	wrdreg $0xFFFFFFFF  }
0xa7: {  	s28 =	simm.s32 $_size_execute0_lowered;
	s3 =	sadd.s32 s3, s5;
	[dreg:$0x0] =	wrdreg $0x0  }
0xa8: {  	s5 =	sshll.u32 s28, $0x1;
	[dreg:$0x2] =	wrdreg s3  }
0xa9: {  	[dreg:$0x3] =	wrdreg s5  }
0xaa: {  	[dreg:$0x4] =	wrdreg $0xC0  }
0xab: {  	_ =	task [dreg:s7], $0x5FFFF  }
0xac: {  	[dreg:$0x1] =	wrdreg $0xFFFFFFFF  }
0xad: {  	[dreg:$0x0] =	wrdreg $0x60  }
0xae: {  	[dreg:$0x2] =	wrdreg s2  }
0xaf: {  	[dreg:$0x3] =	wrdreg s24  }
0xb0: {  	[dreg:$0x4] =	wrdreg $0x41000  }
0xb1: {  	[dreg:$0x5] =	wrdreg $0x9  }
0xb2: {  	_ =	task.clear_ibuf [dreg:s7], $0x6FFFF;
	_ =	strace $0x90000049  }
0xb3: {  	s29 =	simm.s32 $0x9;
	_ =	strace $0x8000004B  }
0xb4: {  	_ =	swait.ge [sflag:s29], $0x1  }
0xb5: {  	[sflag:s29] =	ssyncadd.s32 $0xFFFFFFFF  }
0xb6: {  	_ =	strace $0x9000004B  }
0xb7: {  	_ =	sfence  }
0xb8: {  	s30 =	sld [smem:$0x0];
	_ =	sdelay $0x2  }
0xb9: {  	s31 =	sshll.u32 s1, $0xD;
	s1 =	sshrl.u32 s1, $0x2  }
0xba: {  	s3 =	sand.u32 $0x4000, s31;
	s1 =	sadd.s32 s1, s30  }
0xbb: {  	s0 =	sor.u32 s3, s0;
	s1 =	sshll.u32 s1, $0x11  }
0xbc: {  	s0 =	sor.u32 s1, s0  }
0xbd: {  	s0 =	sadd.s32 $0x8F2B, s0  }
0xbe: {  	[sflag:s0] =	ssyncadd.remote.s32 $0x1  }
0xbf: {  	_ =	sfence.sel $0xFFFF  }
0xc0: {  	[dreg:$0x0] =	wrdreg $0xFFFFFFFF;
	(pc) =	sbr.abs _section_cstart, $3  }
0xc1: {  	[dreg:$0x1] =	wrdreg $0xFFFFFFFF  }
0xc2: {  	_ =	task.clear_ibuf [dreg:s7], $0x2FFFF;
	_ =	strace $0x9FFFFFFF  }
0xc3: {  	(tm) =	ssettm $0x7FFFFFFF  }
tec
execute0_lowered:
.L_overlay_start_1:
0x0: {  	(tag) =	ssettag $0x1  }
0x1: {  	s0 =	rddreg [dreg:$0x0]  }
0x2: {  	s6 =	rddreg [dreg:$0x1];
	s1 =	srdreg.scid  }
0x3: {  	s3 =	rddreg [dreg:$0x2];
	s2 =	stileid.u32  }
0x4: {  	s4 =	simm.s32 $0x0;
	s14 =	simm.s32 $0x100;
	s8 =	smul.u32 $0x14000, s2  }
0x5: {  	s15 =	simm.s32 $0x1;
	s16 =	simm.s32 $0x0;
	s10 =	smul.u32 $0x50000, s2  }
0x6: {  	s7 =	sand.u32 $0x1, s1;
	s1 =	rddreg [dreg:$0x3];
	s11 =	smul.u32 $0x4F0, s2  }
0x7: {  	[smem:$0x7FF] =	sst s4;
	s30 =	sshll.u32 s2, $0x6;
	s5 =	smul.u32 $0x140000, s7  }
0x8: {  	s9 =	smul.u32 $0x4F00, s7;
	_ =	strace $0x8000004A;
	s29 =	ssub.s32 $0x2, s7  }
0x9: {  	s7 =	sshrl.u32 s29, $0x1;
	s10 =	sshrl.u32 s10, $0x2;
	s5 =	sadd.s32 s8, s5  }
0xa: {  	s26 =	sadd.s32 s9, s6;
	s12 =	ssub.s32 s29, s7;
	s13 =	sadd.s32 s10, s3  }
0xb: {  	s28 =	sshrl.u32 s5, $0x3;
	s5 =	sadd.s32 $0xC200, s6;
	s31 =	sadd.s32 s11, s26  }
0xc: {  	s8 =	smax.u32 s12, $0x1;
	s11 =	sshrl.u32 s13, $0x3;
	s12 =	simm.s32 $0x2  }
0xd: {  	s13 =	simm.s32 $0x80;
	s9 =	sadd.s32 s28, s6;
	s6 =	sor.u32 $0x1C02, s30  }
0xe: {  	s10 =	sadd.s32 $0x5CA00, s31;
	s7 =	sadd.s32 $0x66800, s9;
	s9 =	sadd.s32 $0x2400, s31  }
.LBB2_1:
0xf: {  	[spmem:s11], [sflag:s6] =	dma.local [hbm:s5], $0x2800  }
0x10: {  	_ =	swait.ge [sflag:s12], $0x2800  }
0x11: {  	[sflag:s12] =	ssyncset.done $0x0  }
0x12: {  	[sflag:s12] =	ssyncadd.s32 $0xFFFFD800  }
0x13: {  	s17 =	sadd.s32 $0x0, s10;
	[bflag:$0x0] =	sbarrier.arrive $0xFFFF  }
0x14: {  	[tilespmem:s4], [sflag:$0x2] =	stream.linear.gather [hbm4b:s17+s4], $0x80, $0x38;
	[tilespmem:$0x18100] =	vst v63  }
0x15: {  	_ =	swait.ge [sflag:s12], $0x80  }
0x16: {  	[sflag:s12] =	ssyncset.done $0x0  }
0x17: {  	s31 =	sadd.s32 $0x0, s9;
	[sflag:s12] =	ssyncadd.s32 $0xFFFFFF80  }
0x18: {  	[tilespmem:s13], [sflag:$0x2] =	stream.linear.gather [hbm4b:s31+s4], $0x80, $0x38;
	[tilespmem:$0x18100] =	vst v63  }
0x19: {  	_ =	swait.ge [sflag:s12], $0x80  }
0x1a: {  	[sflag:s12] =	ssyncset.done $0x0  }
0x1b: {  	[sflag:s12] =	ssyncadd.s32 $0xFFFFFF80  }
0x1c: {  	[tilespmem:s14], [sflag:$0x1] =	stream.indirect.gather [hbm4b:s0+s13], $0x80, s4, s13, $0xb8;
	[tilespmem:$0x18100] =	vst v63  }
0x1d: {  	_ =	swait.ge [sflag:s15], $0x4000  }
0x1e: {  	[sflag:s15] =	ssyncset.done $0x0  }
0x1f: {  	[sflag:s15] =	ssyncadd.s32 $0xFFFFC000  }
0x20: {  	[spmem:s3] =	stream.indirect.scatter.add.f32 [tilespmem:s14], [sflag:$0x2], $0x80, s13, s13, $0xb8;
	[tilespmem:$0x18100] =	vst v63  }
0x21: {  	_ =	swait.ge [sflag:s12], $0x4000  }
0x22: {  	s18 =	simm.s32 $0x20;
	s17 =	simm.s32 $0x10;
	[sflag:s12] =	ssyncset.done $0x0  }
.LBB2_2:
0x23: {  	s19 =	sadd.s32 s17, s10  }
0x24: {  	[sflag:s12] =	ssyncadd.s32 $0xFFFFC000;
	s20 =	smov.u32 s18;
	s21 =	sadd.s32 $0x10, s18  }
0x25: {  	[tilespmem:s4], [sflag:$0x2] =	stream.linear.gather [hbm4b:s19+s4], $0x80, $0x38;
	[tilespmem:$0x18100] =	vst v63  }
0x26: {  	p0 =	sne.s32 s18, $0x4E0;
	_ =	swait.ge [sflag:s12], $0x80  }
0x27: {  	[sflag:s12] =	ssyncset.done $0x0  }
0x28: {  	s18 =	sadd.s32 s17, s9;
	s17 =	smov.u32 s20;
	[sflag:s12] =	ssyncadd.s32 $0xFFFFFF80  }
0x29: {  	[tilespmem:s13], [sflag:$0x2] =	stream.linear.gather [hbm4b:s18+s4], $0x80, $0x38;
	[tilespmem:$0x18100] =	vst v63  }
0x2a: {  	_ =	swait.ge [sflag:s12], $0x80  }
0x2b: {  	[sflag:s12] =	ssyncset.done $0x0  }
0x2c: {  	[sflag:s12] =	ssyncadd.s32 $0xFFFFFF80  }
0x2d: {  	[tilespmem:s14], [sflag:$0x1] =	stream.indirect.gather [hbm4b:s0+s13], $0x80, s4, s13, $0xb8;
	[tilespmem:$0x18100] =	vst v63  }
0x2e: {  	_ =	swait.ge [sflag:s15], $0x4000  }
.Ltmp0:
0x2f: {  	[sflag:s15] =	ssyncset.done $0x0;
	(pc) =	sbr.rel @p0 .LBB2_2-.Ltmp0, $4  }
0x30: {  	[sflag:s15] =	ssyncadd.s32 $0xFFFFC000  }
0x31: {  	[spmem:s3] =	stream.indirect.scatter.add.f32 [tilespmem:s14], [sflag:$0x2], $0x80, s13, s13, $0xb8;
	[tilespmem:$0x18100] =	vst v63  }
0x32: {  	_ =	swait.ge [sflag:s12], $0x4000  }
0x33: {  	s18 =	smov.u32 s21;
	[sflag:s12] =	ssyncset.done $0x0  }
0x34: {  	s18 =	sadd.s32 s17, s10;
	[sflag:s12] =	ssyncadd.s32 $0xFFFFC000  }
0x35: {  	[tilespmem:s4], [sflag:$0x2] =	stream.linear.gather [hbm4b:s18+s4], $0x80, $0x38;
	[tilespmem:$0x18100] =	vst v63  }
0x36: {  	_ =	swait.ge [sflag:s12], $0x80  }
0x37: {  	[sflag:s12] =	ssyncset.done $0x0  }
0x38: {  	s31 =	sadd.s32 s17, s9;
	[sflag:s12] =	ssyncadd.s32 $0xFFFFFF80  }
0x39: {  	[tilespmem:s13], [sflag:$0x2] =	stream.linear.gather [hbm4b:s31+s4], $0x80, $0x38;
	[tilespmem:$0x18100] =	vst v63  }
0x3a: {  	_ =	swait.ge [sflag:s12], $0x80  }
0x3b: {  	[sflag:s12] =	ssyncset.done $0x0  }
0x3c: {  	[sflag:s12] =	ssyncadd.s32 $0xFFFFFF80  }
0x3d: {  	[tilespmem:s14], [sflag:$0x1] =	stream.indirect.gather [hbm4b:s0+s13], $0x80, s4, s13, $0xb8;
	[tilespmem:$0x18100] =	vst v63  }
0x3e: {  	_ =	swait.ge [sflag:s15], $0x4000  }
0x3f: {  	[sflag:s15] =	ssyncset.done $0x0  }
0x40: {  	[sflag:s15] =	ssyncadd.s32 $0xFFFFC000  }
0x41: {  	[spmem:s3] =	stream.indirect.scatter.add.f32 [tilespmem:s14], [sflag:$0x2], $0x80, s13, s13, $0xb8;
	[tilespmem:$0x18100] =	vst v63  }
0x42: {  	_ =	swait.ge [sflag:s12], $0x4000  }
0x43: {  	s16 =	sadd.s32 $0x1, s16;
	[sflag:s12] =	ssyncset.done $0x0  }
0x44: {  	p0 =	sne.s32 s16, s8;
	[sflag:s12] =	ssyncadd.s32 $0xFFFFC000  }
.Ltmp1:
0x45: {  	[bflag:$0x0] =	sbarrier.arrive $0xFFFF;
	(pc) =	sbr.rel @p0 .LBB2_1-.Ltmp1, $4  }
0x46: {  	[hbm:s7], [sflag:s6] =	dma.local [spmem:s11], $0x2800  }
0x47: {  	_ =	swait.ge [sflag:s12], $0x2800  }
0x48: {  	[sflag:s12] =	ssyncset.done $0x0  }
0x49: {  	[sflag:s12] =	ssyncadd.s32 $0xFFFFD800  }
0x4a: {  	_ =	sfence.sel $0x180000  }
0x4b: {  	[bflag:$0x0] =	sbarrier.arrive $0xFFFF  }
0x4c: {  	p0 =	sne.s32 s2, $0x0;
	_ =	strace $0x9000004A  }
0x4d: {  	s0 =	sadd.s32 @!p0 $0x100000, s1;
	[bflag:$0x2] =	sbarrier.arrive $0xFFFF  }
0x4e: {  	[sflag:s0] =	ssyncadd.tile.s32 @!p0 $0x1;
	_ =	shalt  }
.Lfunc_end2:
_tile_overlayer_lowered:
.L_overlay_start_2:
0x4f: {  	(tag) =	ssettag $0x2  }
0x50: {  	s0 =	rddreg [dreg:$0x0];
	s2 =	stileid.u32  }
0x51: {  	s1 =	rddreg [dreg:$0x1];
	p0 =	sne.s32 s2, $0x0  }
0x52: {  	s3 =	rddreg [dreg:$0x2];
	[bflag:$0x3] =	sbarrier.arrive $0xFFFF;
	s2 =	simm.s32 @!p0 $0x1C02  }
0x53: {  	[timem:s3], [sflag:s2] =	dma.local @!p0 [hbm:s0], s1  }
0x54: {  	s0 =	simm.s32 @!p0 $0x2  }
0x55: {  	_ =	swait.ge @!p0 [sflag:s0], s1  }
0x56: {  	s1 =	ssub.s32 @!p0 $0x0, s1;
	[sflag:s0] =	ssyncset.done @!p0 $0x0  }
0x57: {  	[sflag:s0] =	ssyncadd.s32 @!p0 s1  }
0x58: {  	[bflag:$0x3] =	sbarrier.arrive $0xFFFF  }
0x59: {  	_ =	shalt  }

// kernel: kernel.14.cloned.1.call-start
scs
__scs_entry_jumppad:
0x0: {  	(pc) =	sbr.rel $0x88, $3  }
0x1: {  	(tag) =	ssettag $0x0;
	lr =	simm.s32 $0x1  }
0x2: {  	[smem:$0x3F9B] =	sst lr;
	_ =	strace $0xD0000000  }
0x3: {  	_ = 	snop  }
0x4: {  	_ = 	snop  }
0x5: {  	_ = 	snop  }
0x6: {  	_ = 	snop  }
0x7: {  	_ = 	snop  }
__scs_overlays_trampoline_lowered:
0x8: {  	[smem:$0x3FAA] =	sst s0  }
0x9: {  	[smem:$0x3FAB] =	sst s1  }
0xa: {  	[smem:$0x3FAC] =	sst s2  }
0xb: {  	[smem:$0x3FAD] =	sst s3  }
0xc: {  	[smem:$0x3FAE] =	sst s4  }
0xd: {  	[smem:$0x3FAF] =	sst s5  }
0xe: {  	[smem:$0x3FB0] =	sst s6  }
0xf: {  	[smem:$0x3FB1] =	sst s7  }
0x10: {  	[smem:$0x3FB2] =	sst s8  }
0x11: {  	[smem:$0x3FB3] =	sst s9;
	s0 =	simm.s32 @!p0 $0x0  }
0x12: {  	s1 =	sld [smem:$0x3F99];
	s0 =	simm.s32 @p0 $0x1  }
0x13: {  	[smem:$0x3FB4] =	sst s0;
	s0 =	simm.s32 @!p1 $0x0  }
0x14: {  	s2 =	sld [smem:$0x3F98];
	s0 =	simm.s32 @p1 $0x1  }
0x15: {  	[smem:$0x3FB5] =	sst s0;
	s0 =	simm.s32 @!p2 $0x0  }
0x16: {  	s3 =	sld [smem:$0x3FDB];
	s0 =	simm.s32 @p2 $0x1  }
0x17: {  	s4 =	simm.s32 $0x1BF5;
	[smem:$0x3FB7] =	sst s0  }
0x18: {  	s0 =	sld [smem:$0x3F9A];
	_ =	swait.ge [sflag:s4], $0x0  }
0x19: {  	s7 =	sld [smem:$0x3F9B]  }
0x1a: {  	s8 =	sadd.s32 $0xFFFFE003, lr  }
0x1b: {  	s9 =	sadd.s32 $0xFFFFFEF7, lr;
	s5 =	simm.s32 $0xFFFFFFFF;
	p2 =	slt.u32 s8, $0xFFFFF086  }
0x1c: {  	p1 =	slt.u32 s9, $0xF7A;
	s5 =	simm.s32 @!p2 $0x0  }
0x1d: {  	s5 =	simm.s32 @p1 $0x1;
	p0 =	seq.s32 s7, s2  }
0x1e: {  	s7 =	smul.u32 @!p0 $0xF7A, s2;
	p2 =	seq.s32 @!p0 s5, $0x0  }
0x1f: {  	s9 =	smul.u32 $0xF7A, s1;
	s8 =	simm.s32 @!p0 $0x1BF5;
	p2 =	por !p2, p0  }
0x20: {  	[sflag:s8] =	ssyncset.s32 @!p0 $0xFFFFF086;
	s6 =	sadd.s32 @!p0 s3, s7;
	s7 =	simm.s32 @!p0 $0x108  }
0x21: {  	s3 =	sadd.s32 s3, s9;
	s6 =	sadd.s32 @!p0 $0x88, s6;
	s7 =	simm.s32 @p2 $0x1082  }
0x22: {  	[simem:s7], [sflag:s8] =	dma.local @!p0 [hbm:s6], $0xF7A  }
0x23: {  	s9 =	sor.u32 $0xD0000000, s2;
	s6 =	simm.s32 $0x108;
	_ =	swait.ge @!p0 [sflag:s8], $0x0  }
0x24: {  	s3 =	sadd.s32 $0x88, s3;
	s6 =	simm.s32 @!p1 $0x1082;
	[sflag:s4] =	ssyncset.s32 $0xFFFFF086  }
0x25: {  	[simem:s6], [sflag:s4] =	dma.local [hbm:s3], $0xF7A  }
0x26: {  	[smem:$0x3F9B] =	sst s1;
	(tag) =	ssettag s2;
	_ =	strace s9  }
0x27: {  	s1 =	sld [smem:$0x3FAB]  }
0x28: {  	s2 =	sld [smem:$0x3FAC]  }
0x29: {  	s4 =	sld [smem:$0x3FAE]  }
0x2a: {  	p0 =	seq.s32 s5, $0x0;
	s5 =	sld [smem:$0x3FAF]  }
0x2b: {  	s6 =	sld [smem:$0x3FB0]  }
0x2c: {  	s7 =	sld [smem:$0x3FB1]  }
0x2d: {  	s3 =	simm.s32 $0x108;
	s8 =	sld [smem:$0x3FB2]  }
0x2e: {  	s3 =	simm.s32 @!p0 $0x1082;
	s9 =	sld [smem:$0x3FB3]  }
0x2f: {  	lr =	sadd.s32 s0, s3;
	s0 =	sld [smem:$0x3FAA]  }
0x30: {  	s3 =	sld [smem:$0x3FAD]  }
0x31: {  	[smem:$0x3FB6] =	sst s10  }
0x32: {  	s10 =	sld [smem:$0x3FB4];
	_ =	sdelay $0x3  }
0x33: {  	p0 =	seq.s32 s10, $0x1;
	s10 =	sld [smem:$0x3FB6];
	_ =	sdelay $0x3  }
0x34: {  	[smem:$0x3FB6] =	sst s10  }
0x35: {  	s10 =	sld [smem:$0x3FB5];
	_ =	sdelay $0x3  }
0x36: {  	p1 =	seq.s32 s10, $0x1;
	s10 =	sld [smem:$0x3FB6];
	_ =	sdelay $0x3  }
0x37: {  	[smem:$0x3FB6] =	sst s10  }
0x38: {  	s10 =	sld [smem:$0x3FB7]  }
0x39: {  	_ = 	snop;
	(pc) =	sbr.ind lr, $3  }
0x3a: {  	_ = 	snop  }
0x3b: {  	_ = 	snop  }
0x3c: {  	p2 =	seq.s32 s10, $0x1;
	s10 =	sld [smem:$0x3FB6]  }
0x3d: {  	_ =	shalt  }
0x3e: {  	_ =	shalt  }
0x3f: {  	_ =	shalt  }
0x40: {  	_ =	shalt  }
0x41: {  	_ =	shalt  }
0x42: {  	_ =	shalt  }
0x43: {  	_ =	shalt  }
0x44: {  	_ =	shalt  }
0x45: {  	_ =	shalt  }
0x46: {  	_ =	shalt  }
0x47: {  	_ =	shalt  }
0x48: {  	_ =	shalt  }
0x49: {  	_ =	shalt  }
0x4a: {  	_ =	shalt  }
0x4b: {  	_ =	shalt  }
0x4c: {  	_ =	shalt  }
0x4d: {  	_ =	shalt  }
0x4e: {  	_ =	shalt  }
0x4f: {  	_ =	shalt  }
0x50: {  	_ =	shalt  }
0x51: {  	_ =	shalt  }
0x52: {  	_ =	shalt  }
0x53: {  	_ =	shalt  }
0x54: {  	_ =	shalt  }
0x55: {  	_ =	shalt  }
0x56: {  	_ =	shalt  }
0x57: {  	_ =	shalt  }
0x58: {  	_ =	shalt  }
0x59: {  	_ =	shalt  }
0x5a: {  	_ =	shalt  }
0x5b: {  	_ =	shalt  }
0x5c: {  	_ =	shalt  }
0x5d: {  	_ =	shalt  }
0x5e: {  	_ =	shalt  }
0x5f: {  	_ =	shalt  }
0x60: {  	_ =	shalt  }
0x61: {  	_ =	shalt  }
0x62: {  	_ =	shalt  }
0x63: {  	_ =	shalt  }
0x64: {  	_ =	shalt  }
0x65: {  	_ =	shalt  }
0x66: {  	_ =	shalt  }
0x67: {  	_ =	shalt  }
0x68: {  	_ =	shalt  }
0x69: {  	_ =	shalt  }
0x6a: {  	_ =	shalt  }
0x6b: {  	_ =	shalt  }
0x6c: {  	_ =	shalt  }
0x6d: {  	_ =	shalt  }
0x6e: {  	_ =	shalt  }
0x6f: {  	_ =	shalt  }
0x70: {  	_ =	shalt  }
0x71: {  	_ =	shalt  }
0x72: {  	_ =	shalt  }
0x73: {  	_ =	shalt  }
0x74: {  	_ =	shalt  }
0x75: {  	_ =	shalt  }
0x76: {  	_ =	shalt  }
0x77: {  	_ =	shalt  }
0x78: {  	_ =	shalt  }
0x79: {  	_ =	shalt  }
0x7a: {  	_ =	shalt  }
0x7b: {  	_ =	shalt  }
0x7c: {  	_ =	shalt  }
0x7d: {  	_ =	shalt  }
0x7e: {  	_ =	shalt  }
0x7f: {  	_ =	shalt  }
0x80: {  	_ =	shalt  }
0x81: {  	_ =	shalt  }
0x82: {  	_ =	shalt  }
0x83: {  	_ =	shalt  }
0x84: {  	_ =	shalt  }
0x85: {  	_ =	shalt  }
0x86: {  	_ =	shalt  }
0x87: {  	_ =	shalt  }
.Lfunc_end0:
.L_simem_size_0:
called_computation.2_lowered:
.L_overlay_start_0:
0x88: {  	s2 =	sld [smem:$0x3FD9]  }
0x89: {  	s3 =	sld [smem:$0x3FFE];
	_ =	sdelay $0x1  }
0x8a: {  	s1 =	srdreg.scid  }
0x8b: {  	s0 =	sand.u32 $0x1, s1  }
0x8c: {  	s17 =	sshll.u32 s0, $0xA;
	s2 =	sadd.s32 s3, s2  }
0x8d: {  	s2 =	sadd.s32 s2, s17  }
0x8e: {  	[smem:$0x3FC2] =	sst s2  }
0x8f: {  	_ = 	snop  }
0x90: {  	s2 =	sld [smem:$0x3FD0];
	(tm) =	ssettm $0x1  }
0x91: {  	s18 =	sld [smem:$0x3FFB];
	_ =	sdelay $0x3  }
0x92: {  	_ =	strace s18  }
0x93: {  	s3 =	sld [smem:$0x3FFC];
	_ =	sdelay $0x3  }
0x94: {  	_ =	strace s3  }
0x95: {  	s3 =	sld [smem:$0x3FFD];
	_ =	sdelay $0x3  }
0x96: {  	_ =	strace s3  }
0x97: {  	_ =	strace $0x8FFFFFFF  }
0x98: {  	s19 =	sld [smem:$0x3FDB];
	_ =	sdelay $0x1  }
0x99: {  	s4 =	simm.s32 $_scs_section_size  }
0x9a: {  	s5 =	simm.s32 $_size__tile_overlayer_lowered;
	s6 =	simm.s32 $_tile_overlayer_lowered  }
0x9b: {  	s22 =	simm.s32 $0x1BFF;
	s21 =	sshll.u32 s6, $0x1;
	s3 =	sadd.s32 s4, s19  }
0x9c: {  	s7 =	simm.s32 $0x0;
	s20 =	sshll.u32 s5, $0x1;
	s5 =	sadd.s32 s21, s3  }
0x9d: {  	[timem:s7], [sflag:s22] =	dma.local [hbm:s5], s20  }
0x9e: {  	_ =	swait.ge [sflag:s22], s20  }
0x9f: {  	s4 =	ssub.s32 $0x0, s20;
	[sflag:s22] =	ssyncset.done $0x0  }
0xa0: {  	[sflag:s22] =	ssyncadd.s32 s4;
	_ =	sdelay $0x1  }
0xa1: {  	s23 =	simm.s32 $0x1B8B  }
0xa2: {  	_ =	swait.ge [sflag:s23], $0x1  }
0xa3: {  	[sflag:s23] =	ssyncset.done $0x0  }
0xa4: {  	s25 =	simm.s32 $0x1B8E;
	s24 =	sld [smem:$0x3FFE];
	[sflag:s23] =	ssyncadd.s32 $0xFFFFFFFF  }
0xa5: {  	s26 =	simm.s32 $execute0_lowered;
	[smem:$0x3FD2] =	sst s25  }
0xa6: {  	s5 =	sshll.u32 s26, $0x1;
	_ =	strace $0x8000004C;
	[dreg:$0x1] =	wrdreg $0xFFFFFFFF  }
0xa7: {  	s28 =	simm.s32 $_size_execute0_lowered;
	s3 =	sadd.s32 s3, s5;
	[dreg:$0x0] =	wrdreg $0x0  }
0xa8: {  	s5 =	sshll.u32 s28, $0x1;
	[dreg:$0x2] =	wrdreg s3  }
0xa9: {  	[dreg:$0x3] =	wrdreg s5  }
0xaa: {  	[dreg:$0x4] =	wrdreg $0xC0  }
0xab: {  	_ =	task [dreg:s7], $0x5FFFF  }
0xac: {  	[dreg:$0x1] =	wrdreg $0xFFFFFFFF  }
0xad: {  	[dreg:$0x0] =	wrdreg $0x60  }
0xae: {  	[dreg:$0x2] =	wrdreg s2  }
0xaf: {  	[dreg:$0x3] =	wrdreg s24  }
0xb0: {  	[dreg:$0x4] =	wrdreg $0x41000  }
0xb1: {  	[dreg:$0x5] =	wrdreg $0x9  }
0xb2: {  	_ =	task.clear_ibuf [dreg:s7], $0x6FFFF;
	_ =	strace $0x9000004C  }
0xb3: {  	s29 =	simm.s32 $0x9;
	_ =	strace $0x8000004E  }
0xb4: {  	_ =	swait.ge [sflag:s29], $0x1  }
0xb5: {  	[sflag:s29] =	ssyncadd.s32 $0xFFFFFFFF  }
0xb6: {  	_ =	strace $0x9000004E  }
0xb7: {  	_ =	sfence  }
0xb8: {  	s30 =	sld [smem:$0x0];
	_ =	sdelay $0x2  }
0xb9: {  	s31 =	sshll.u32 s1, $0xD;
	s1 =	sshrl.u32 s1, $0x2  }
0xba: {  	s3 =	sand.u32 $0x4000, s31;
	s1 =	sadd.s32 s1, s30  }
0xbb: {  	s0 =	sor.u32 s3, s0;
	s1 =	sshll.u32 s1, $0x11  }
0xbc: {  	s0 =	sor.u32 s1, s0  }
0xbd: {  	s0 =	sadd.s32 $0x8F2B, s0  }
0xbe: {  	[sflag:s0] =	ssyncadd.remote.s32 $0x1  }
0xbf: {  	_ =	sfence.sel $0xFFFF  }
0xc0: {  	[dreg:$0x0] =	wrdreg $0xFFFFFFFF;
	(pc) =	sbr.abs _section_cstart, $3  }
0xc1: {  	[dreg:$0x1] =	wrdreg $0xFFFFFFFF  }
0xc2: {  	_ =	task.clear_ibuf [dreg:s7], $0x2FFFF;
	_ =	strace $0x9FFFFFFF  }
0xc3: {  	(tm) =	ssettm $0x7FFFFFFF  }
tec
execute0_lowered:
.L_overlay_start_1:
0x0: {  	(tag) =	ssettag $0x1  }
0x1: {  	s0 =	rddreg [dreg:$0x0]  }
0x2: {  	s6 =	rddreg [dreg:$0x1];
	s1 =	srdreg.scid  }
0x3: {  	s3 =	rddreg [dreg:$0x2];
	s2 =	stileid.u32  }
0x4: {  	s4 =	simm.s32 $0x0;
	s14 =	simm.s32 $0x100;
	s8 =	smul.u32 $0x14000, s2  }
0x5: {  	s15 =	simm.s32 $0x1;
	s16 =	simm.s32 $0x0;
	s10 =	smul.u32 $0x50000, s2  }
0x6: {  	s7 =	sand.u32 $0x1, s1;
	s1 =	rddreg [dreg:$0x3];
	s11 =	smul.u32 $0x4F0, s2  }
0x7: {  	[smem:$0x7FF] =	sst s4;
	s30 =	sshll.u32 s2, $0x6;
	s5 =	smul.u32 $0x140000, s7  }
0x8: {  	s9 =	smul.u32 $0x4F00, s7;
	_ =	strace $0x8000004D;
	s29 =	ssub.s32 $0x2, s7  }
0x9: {  	s7 =	sshrl.u32 s29, $0x1;
	s10 =	sshrl.u32 s10, $0x2;
	s5 =	sadd.s32 s8, s5  }
0xa: {  	s26 =	sadd.s32 s9, s6;
	s12 =	ssub.s32 s29, s7;
	s13 =	sadd.s32 s10, s3  }
0xb: {  	s28 =	sshrl.u32 s5, $0x3;
	s5 =	sadd.s32 $0xC200, s6;
	s31 =	sadd.s32 s11, s26  }
0xc: {  	s8 =	smax.u32 s12, $0x1;
	s11 =	sshrl.u32 s13, $0x3;
	s12 =	simm.s32 $0x2  }
0xd: {  	s13 =	simm.s32 $0x80;
	s9 =	sadd.s32 s28, s6;
	s6 =	sor.u32 $0x1C02, s30  }
0xe: {  	s10 =	sadd.s32 $0x5CA00, s31;
	s7 =	sadd.s32 $0x66800, s9;
	s9 =	sadd.s32 $0x2400, s31  }
.LBB2_1:
0xf: {  	[spmem:s11], [sflag:s6] =	dma.local [hbm:s5], $0x2800  }
0x10: {  	_ =	swait.ge [sflag:s12], $0x2800  }
0x11: {  	[sflag:s12] =	ssyncset.done $0x0  }
0x12: {  	[sflag:s12] =	ssyncadd.s32 $0xFFFFD800  }
0x13: {  	s17 =	sadd.s32 $0x0, s10;
	[bflag:$0x0] =	sbarrier.arrive $0xFFFF  }
0x14: {  	[tilespmem:s4], [sflag:$0x2] =	stream.linear.gather [hbm4b:s17+s4], $0x80, $0x38;
	[tilespmem:$0x18100] =	vst v63  }
0x15: {  	_ =	swait.ge [sflag:s12], $0x80  }
0x16: {  	[sflag:s12] =	ssyncset.done $0x0  }
0x17: {  	s31 =	sadd.s32 $0x0, s9;
	[sflag:s12] =	ssyncadd.s32 $0xFFFFFF80  }
0x18: {  	[tilespmem:s13], [sflag:$0x2] =	stream.linear.gather [hbm4b:s31+s4], $0x80, $0x38;
	[tilespmem:$0x18100] =	vst v63  }
0x19: {  	_ =	swait.ge [sflag:s12], $0x80  }
0x1a: {  	[sflag:s12] =	ssyncset.done $0x0  }
0x1b: {  	[sflag:s12] =	ssyncadd.s32 $0xFFFFFF80  }
0x1c: {  	[tilespmem:s14], [sflag:$0x1] =	stream.indirect.gather [hbm4b:s0+s13], $0x80, s4, s13, $0xb8;
	[tilespmem:$0x18100] =	vst v63  }
0x1d: {  	_ =	swait.ge [sflag:s15], $0x4000  }
0x1e: {  	[sflag:s15] =	ssyncset.done $0x0  }
0x1f: {  	[sflag:s15] =	ssyncadd.s32 $0xFFFFC000  }
0x20: {  	[spmem:s3] =	stream.indirect.scatter.add.f32 [tilespmem:s14], [sflag:$0x2], $0x80, s13, s13, $0xb8;
	[tilespmem:$0x18100] =	vst v63  }
0x21: {  	_ =	swait.ge [sflag:s12], $0x4000  }
0x22: {  	s18 =	simm.s32 $0x20;
	s17 =	simm.s32 $0x10;
	[sflag:s12] =	ssyncset.done $0x0  }
.LBB2_2:
0x23: {  	s19 =	sadd.s32 s17, s10  }
0x24: {  	[sflag:s12] =	ssyncadd.s32 $0xFFFFC000;
	s20 =	smov.u32 s18;
	s21 =	sadd.s32 $0x10, s18  }
0x25: {  	[tilespmem:s4], [sflag:$0x2] =	stream.linear.gather [hbm4b:s19+s4], $0x80, $0x38;
	[tilespmem:$0x18100] =	vst v63  }
0x26: {  	p0 =	sne.s32 s18, $0x4E0;
	_ =	swait.ge [sflag:s12], $0x80  }
0x27: {  	[sflag:s12] =	ssyncset.done $0x0  }
0x28: {  	s18 =	sadd.s32 s17, s9;
	s17 =	smov.u32 s20;
	[sflag:s12] =	ssyncadd.s32 $0xFFFFFF80  }
0x29: {  	[tilespmem:s13], [sflag:$0x2] =	stream.linear.gather [hbm4b:s18+s4], $0x80, $0x38;
	[tilespmem:$0x18100] =	vst v63  }
0x2a: {  	_ =	swait.ge [sflag:s12], $0x80  }
0x2b: {  	[sflag:s12] =	ssyncset.done $0x0  }
0x2c: {  	[sflag:s12] =	ssyncadd.s32 $0xFFFFFF80  }
0x2d: {  	[tilespmem:s14], [sflag:$0x1] =	stream.indirect.gather [hbm4b:s0+s13], $0x80, s4, s13, $0xb8;
	[tilespmem:$0x18100] =	vst v63  }
0x2e: {  	_ =	swait.ge [sflag:s15], $0x4000  }
.Ltmp0:
0x2f: {  	[sflag:s15] =	ssyncset.done $0x0;
	(pc) =	sbr.rel @p0 .LBB2_2-.Ltmp0, $4  }
0x30: {  	[sflag:s15] =	ssyncadd.s32 $0xFFFFC000  }
0x31: {  	[spmem:s3] =	stream.indirect.scatter.add.f32 [tilespmem:s14], [sflag:$0x2], $0x80, s13, s13, $0xb8;
	[tilespmem:$0x18100] =	vst v63  }
0x32: {  	_ =	swait.ge [sflag:s12], $0x4000  }
0x33: {  	s18 =	smov.u32 s21;
	[sflag:s12] =	ssyncset.done $0x0  }
0x34: {  	s18 =	sadd.s32 s17, s10;
	[sflag:s12] =	ssyncadd.s32 $0xFFFFC000  }
0x35: {  	[tilespmem:s4], [sflag:$0x2] =	stream.linear.gather [hbm4b:s18+s4], $0x80, $0x38;
	[tilespmem:$0x18100] =	vst v63  }
0x36: {  	_ =	swait.ge [sflag:s12], $0x80  }
0x37: {  	[sflag:s12] =	ssyncset.done $0x0  }
0x38: {  	s31 =	sadd.s32 s17, s9;
	[sflag:s12] =	ssyncadd.s32 $0xFFFFFF80  }
0x39: {  	[tilespmem:s13], [sflag:$0x2] =	stream.linear.gather [hbm4b:s31+s4], $0x80, $0x38;
	[tilespmem:$0x18100] =	vst v63  }
0x3a: {  	_ =	swait.ge [sflag:s12], $0x80  }
0x3b: {  	[sflag:s12] =	ssyncset.done $0x0  }
0x3c: {  	[sflag:s12] =	ssyncadd.s32 $0xFFFFFF80  }
0x3d: {  	[tilespmem:s14], [sflag:$0x1] =	stream.indirect.gather [hbm4b:s0+s13], $0x80, s4, s13, $0xb8;
	[tilespmem:$0x18100] =	vst v63  }
0x3e: {  	_ =	swait.ge [sflag:s15], $0x4000  }
0x3f: {  	[sflag:s15] =	ssyncset.done $0x0  }
0x40: {  	[sflag:s15] =	ssyncadd.s32 $0xFFFFC000  }
0x41: {  	[spmem:s3] =	stream.indirect.scatter.add.f32 [tilespmem:s14], [sflag:$0x2], $0x80, s13, s13, $0xb8;
	[tilespmem:$0x18100] =	vst v63  }
0x42: {  	_ =	swait.ge [sflag:s12], $0x4000  }
0x43: {  	s16 =	sadd.s32 $0x1, s16;
	[sflag:s12] =	ssyncset.done $0x0  }
0x44: {  	p0 =	sne.s32 s16, s8;
	[sflag:s12] =	ssyncadd.s32 $0xFFFFC000  }
.Ltmp1:
0x45: {  	[bflag:$0x0] =	sbarrier.arrive $0xFFFF;
	(pc) =	sbr.rel @p0 .LBB2_1-.Ltmp1, $4  }
0x46: {  	[hbm:s7], [sflag:s6] =	dma.local [spmem:s11], $0x2800  }
0x47: {  	_ =	swait.ge [sflag:s12], $0x2800  }
0x48: {  	[sflag:s12] =	ssyncset.done $0x0  }
0x49: {  	[sflag:s12] =	ssyncadd.s32 $0xFFFFD800  }
0x4a: {  	_ =	sfence.sel $0x180000  }
0x4b: {  	[bflag:$0x0] =	sbarrier.arrive $0xFFFF  }
0x4c: {  	p0 =	sne.s32 s2, $0x0;
	_ =	strace $0x9000004D  }
0x4d: {  	s0 =	sadd.s32 @!p0 $0x100000, s1;
	[bflag:$0x2] =	sbarrier.arrive $0xFFFF  }
0x4e: {  	[sflag:s0] =	ssyncadd.tile.s32 @!p0 $0x1;
	_ =	shalt  }
.Lfunc_end2:
_tile_overlayer_lowered:
.L_overlay_start_2:
0x4f: {  	(tag) =	ssettag $0x2  }
0x50: {  	s0 =	rddreg [dreg:$0x0];
	s2 =	stileid.u32  }
0x51: {  	s1 =	rddreg [dreg:$0x1];
	p0 =	sne.s32 s2, $0x0  }
0x52: {  	s3 =	rddreg [dreg:$0x2];
	[bflag:$0x3] =	sbarrier.arrive $0xFFFF;
	s2 =	simm.s32 @!p0 $0x1C02  }
0x53: {  	[timem:s3], [sflag:s2] =	dma.local @!p0 [hbm:s0], s1  }
0x54: {  	s0 =	simm.s32 @!p0 $0x2  }
0x55: {  	_ =	swait.ge @!p0 [sflag:s0], s1  }
0x56: {  	s1 =	ssub.s32 @!p0 $0x0, s1;
	[sflag:s0] =	ssyncset.done @!p0 $0x0  }
0x57: {  	[sflag:s0] =	ssyncadd.s32 @!p0 s1  }
0x58: {  	[bflag:$0x3] =	sbarrier.arrive $0xFFFF  }
0x59: {  	_ =	shalt  }

// kernel: kernel.8.cloned.1.call-start
scs
__scs_entry_jumppad:
0x0: {  	(pc) =	sbr.rel $0x88, $3  }
0x1: {  	(tag) =	ssettag $0x0;
	lr =	simm.s32 $0x1  }
0x2: {  	[smem:$0x3F9B] =	sst lr;
	_ =	strace $0xD0000000  }
0x3: {  	_ = 	snop  }
0x4: {  	_ = 	snop  }
0x5: {  	_ = 	snop  }
0x6: {  	_ = 	snop  }
0x7: {  	_ = 	snop  }
__scs_overlays_trampoline_lowered:
0x8: {  	[smem:$0x3FAA] =	sst s0  }
0x9: {  	[smem:$0x3FAB] =	sst s1  }
0xa: {  	[smem:$0x3FAC] =	sst s2  }
0xb: {  	[smem:$0x3FAD] =	sst s3  }
0xc: {  	[smem:$0x3FAE] =	sst s4  }
0xd: {  	[smem:$0x3FAF] =	sst s5  }
0xe: {  	[smem:$0x3FB0] =	sst s6  }
0xf: {  	[smem:$0x3FB1] =	sst s7  }
0x10: {  	[smem:$0x3FB2] =	sst s8  }
0x11: {  	[smem:$0x3FB3] =	sst s9;
	s0 =	simm.s32 @!p0 $0x0  }
0x12: {  	s1 =	sld [smem:$0x3F99];
	s0 =	simm.s32 @p0 $0x1  }
0x13: {  	[smem:$0x3FB4] =	sst s0;
	s0 =	simm.s32 @!p1 $0x0  }
0x14: {  	s2 =	sld [smem:$0x3F98];
	s0 =	simm.s32 @p1 $0x1  }
0x15: {  	[smem:$0x3FB5] =	sst s0;
	s0 =	simm.s32 @!p2 $0x0  }
0x16: {  	s3 =	sld [smem:$0x3FDB];
	s0 =	simm.s32 @p2 $0x1  }
0x17: {  	s4 =	simm.s32 $0x1BF5;
	[smem:$0x3FB7] =	sst s0  }
0x18: {  	s0 =	sld [smem:$0x3F9A];
	_ =	swait.ge [sflag:s4], $0x0  }
0x19: {  	s7 =	sld [smem:$0x3F9B]  }
0x1a: {  	s8 =	sadd.s32 $0xFFFFE003, lr  }
0x1b: {  	s9 =	sadd.s32 $0xFFFFFEF7, lr;
	s5 =	simm.s32 $0xFFFFFFFF;
	p2 =	slt.u32 s8, $0xFFFFF086  }
0x1c: {  	p1 =	slt.u32 s9, $0xF7A;
	s5 =	simm.s32 @!p2 $0x0  }
0x1d: {  	s5 =	simm.s32 @p1 $0x1;
	p0 =	seq.s32 s7, s2  }
0x1e: {  	s7 =	smul.u32 @!p0 $0xF7A, s2;
	p2 =	seq.s32 @!p0 s5, $0x0  }
0x1f: {  	s9 =	smul.u32 $0xF7A, s1;
	s8 =	simm.s32 @!p0 $0x1BF5;
	p2 =	por !p2, p0  }
0x20: {  	[sflag:s8] =	ssyncset.s32 @!p0 $0xFFFFF086;
	s6 =	sadd.s32 @!p0 s3, s7;
	s7 =	simm.s32 @!p0 $0x108  }
0x21: {  	s3 =	sadd.s32 s3, s9;
	s6 =	sadd.s32 @!p0 $0x88, s6;
	s7 =	simm.s32 @p2 $0x1082  }
0x22: {  	[simem:s7], [sflag:s8] =	dma.local @!p0 [hbm:s6], $0xF7A  }
0x23: {  	s9 =	sor.u32 $0xD0000000, s2;
	s6 =	simm.s32 $0x108;
	_ =	swait.ge @!p0 [sflag:s8], $0x0  }
0x24: {  	s3 =	sadd.s32 $0x88, s3;
	s6 =	simm.s32 @!p1 $0x1082;
	[sflag:s4] =	ssyncset.s32 $0xFFFFF086  }
0x25: {  	[simem:s6], [sflag:s4] =	dma.local [hbm:s3], $0xF7A  }
0x26: {  	[smem:$0x3F9B] =	sst s1;
	(tag) =	ssettag s2;
	_ =	strace s9  }
0x27: {  	s1 =	sld [smem:$0x3FAB]  }
0x28: {  	s2 =	sld [smem:$0x3FAC]  }
0x29: {  	s4 =	sld [smem:$0x3FAE]  }
0x2a: {  	p0 =	seq.s32 s5, $0x0;
	s5 =	sld [smem:$0x3FAF]  }
0x2b: {  	s6 =	sld [smem:$0x3FB0]  }
0x2c: {  	s7 =	sld [smem:$0x3FB1]  }
0x2d: {  	s3 =	simm.s32 $0x108;
	s8 =	sld [smem:$0x3FB2]  }
0x2e: {  	s3 =	simm.s32 @!p0 $0x1082;
	s9 =	sld [smem:$0x3FB3]  }
0x2f: {  	lr =	sadd.s32 s0, s3;
	s0 =	sld [smem:$0x3FAA]  }
0x30: {  	s3 =	sld [smem:$0x3FAD]  }
0x31: {  	[smem:$0x3FB6] =	sst s10  }
0x32: {  	s10 =	sld [smem:$0x3FB4];
	_ =	sdelay $0x3  }
0x33: {  	p0 =	seq.s32 s10, $0x1;
	s10 =	sld [smem:$0x3FB6];
	_ =	sdelay $0x3  }
0x34: {  	[smem:$0x3FB6] =	sst s10  }
0x35: {  	s10 =	sld [smem:$0x3FB5];
	_ =	sdelay $0x3  }
0x36: {  	p1 =	seq.s32 s10, $0x1;
	s10 =	sld [smem:$0x3FB6];
	_ =	sdelay $0x3  }
0x37: {  	[smem:$0x3FB6] =	sst s10  }
0x38: {  	s10 =	sld [smem:$0x3FB7]  }
0x39: {  	_ = 	snop;
	(pc) =	sbr.ind lr, $3  }
0x3a: {  	_ = 	snop  }
0x3b: {  	_ = 	snop  }
0x3c: {  	p2 =	seq.s32 s10, $0x1;
	s10 =	sld [smem:$0x3FB6]  }
0x3d: {  	_ =	shalt  }
0x3e: {  	_ =	shalt  }
0x3f: {  	_ =	shalt  }
0x40: {  	_ =	shalt  }
0x41: {  	_ =	shalt  }
0x42: {  	_ =	shalt  }
0x43: {  	_ =	shalt  }
0x44: {  	_ =	shalt  }
0x45: {  	_ =	shalt  }
0x46: {  	_ =	shalt  }
0x47: {  	_ =	shalt  }
0x48: {  	_ =	shalt  }
0x49: {  	_ =	shalt  }
0x4a: {  	_ =	shalt  }
0x4b: {  	_ =	shalt  }
0x4c: {  	_ =	shalt  }
0x4d: {  	_ =	shalt  }
0x4e: {  	_ =	shalt  }
0x4f: {  	_ =	shalt  }
0x50: {  	_ =	shalt  }
0x51: {  	_ =	shalt  }
0x52: {  	_ =	shalt  }
0x53: {  	_ =	shalt  }
0x54: {  	_ =	shalt  }
0x55: {  	_ =	shalt  }
0x56: {  	_ =	shalt  }
0x57: {  	_ =	shalt  }
0x58: {  	_ =	shalt  }
0x59: {  	_ =	shalt  }
0x5a: {  	_ =	shalt  }
0x5b: {  	_ =	shalt  }
0x5c: {  	_ =	shalt  }
0x5d: {  	_ =	shalt  }
0x5e: {  	_ =	shalt  }
0x5f: {  	_ =	shalt  }
0x60: {  	_ =	shalt  }
0x61: {  	_ =	shalt  }
0x62: {  	_ =	shalt  }
0x63: {  	_ =	shalt  }
0x64: {  	_ =	shalt  }
0x65: {  	_ =	shalt  }
0x66: {  	_ =	shalt  }
0x67: {  	_ =	shalt  }
0x68: {  	_ =	shalt  }
0x69: {  	_ =	shalt  }
0x6a: {  	_ =	shalt  }
0x6b: {  	_ =	shalt  }
0x6c: {  	_ =	shalt  }
0x6d: {  	_ =	shalt  }
0x6e: {  	_ =	shalt  }
0x6f: {  	_ =	shalt  }
0x70: {  	_ =	shalt  }
0x71: {  	_ =	shalt  }
0x72: {  	_ =	shalt  }
0x73: {  	_ =	shalt  }
0x74: {  	_ =	shalt  }
0x75: {  	_ =	shalt  }
0x76: {  	_ =	shalt  }
0x77: {  	_ =	shalt  }
0x78: {  	_ =	shalt  }
0x79: {  	_ =	shalt  }
0x7a: {  	_ =	shalt  }
0x7b: {  	_ =	shalt  }
0x7c: {  	_ =	shalt  }
0x7d: {  	_ =	shalt  }
0x7e: {  	_ =	shalt  }
0x7f: {  	_ =	shalt  }
0x80: {  	_ =	shalt  }
0x81: {  	_ =	shalt  }
0x82: {  	_ =	shalt  }
0x83: {  	_ =	shalt  }
0x84: {  	_ =	shalt  }
0x85: {  	_ =	shalt  }
0x86: {  	_ =	shalt  }
0x87: {  	_ =	shalt  }
.Lfunc_end0:
.L_simem_size_0:
called_computation_lowered:
.L_overlay_start_0:
0x88: {  	s2 =	sld [smem:$0x3FD9]  }
0x89: {  	s3 =	sld [smem:$0x3FFE];
	_ =	sdelay $0x1  }
0x8a: {  	s1 =	srdreg.scid  }
0x8b: {  	s0 =	sand.u32 $0x1, s1  }
0x8c: {  	s17 =	sshll.u32 s0, $0xA;
	s2 =	sadd.s32 s3, s2  }
0x8d: {  	s2 =	sadd.s32 s2, s17  }
0x8e: {  	[smem:$0x3FC2] =	sst s2  }
0x8f: {  	_ = 	snop  }
0x90: {  	s2 =	sld [smem:$0x3FD0];
	(tm) =	ssettm $0x1  }
0x91: {  	s18 =	sld [smem:$0x3FFB];
	_ =	sdelay $0x3  }
0x92: {  	_ =	strace s18  }
0x93: {  	s3 =	sld [smem:$0x3FFC];
	_ =	sdelay $0x3  }
0x94: {  	_ =	strace s3  }
0x95: {  	s3 =	sld [smem:$0x3FFD];
	_ =	sdelay $0x3  }
0x96: {  	_ =	strace s3  }
0x97: {  	_ =	strace $0x8FFFFFFF  }
0x98: {  	s19 =	sld [smem:$0x3FDB];
	_ =	sdelay $0x1  }
0x99: {  	s4 =	simm.s32 $_scs_section_size  }
0x9a: {  	s5 =	simm.s32 $_size__tile_overlayer_lowered;
	s6 =	simm.s32 $_tile_overlayer_lowered  }
0x9b: {  	s22 =	simm.s32 $0x1BFF;
	s21 =	sshll.u32 s6, $0x1;
	s3 =	sadd.s32 s4, s19  }
0x9c: {  	s7 =	simm.s32 $0x0;
	s20 =	sshll.u32 s5, $0x1;
	s5 =	sadd.s32 s21, s3  }
0x9d: {  	[timem:s7], [sflag:s22] =	dma.local [hbm:s5], s20  }
0x9e: {  	_ =	swait.ge [sflag:s22], s20  }
0x9f: {  	s4 =	ssub.s32 $0x0, s20;
	[sflag:s22] =	ssyncset.done $0x0  }
0xa0: {  	[sflag:s22] =	ssyncadd.s32 s4;
	_ =	sdelay $0x1  }
0xa1: {  	s23 =	simm.s32 $0x1B8B  }
0xa2: {  	_ =	swait.ge [sflag:s23], $0x1  }
0xa3: {  	[sflag:s23] =	ssyncset.done $0x0  }
0xa4: {  	s25 =	simm.s32 $0x1B8E;
	s24 =	sld [smem:$0x3FFE];
	[sflag:s23] =	ssyncadd.s32 $0xFFFFFFFF  }
0xa5: {  	s26 =	simm.s32 $execute0_lowered;
	[smem:$0x3FD2] =	sst s25  }
0xa6: {  	s5 =	sshll.u32 s26, $0x1;
	_ =	strace $0x80000046;
	[dreg:$0x1] =	wrdreg $0xFFFFFFFF  }
0xa7: {  	s28 =	simm.s32 $_size_execute0_lowered;
	s3 =	sadd.s32 s3, s5;
	[dreg:$0x0] =	wrdreg $0x0  }
0xa8: {  	s5 =	sshll.u32 s28, $0x1;
	[dreg:$0x2] =	wrdreg s3  }
0xa9: {  	[dreg:$0x3] =	wrdreg s5  }
0xaa: {  	[dreg:$0x4] =	wrdreg $0xC0  }
0xab: {  	_ =	task [dreg:s7], $0x5FFFF  }
0xac: {  	[dreg:$0x1] =	wrdreg $0xFFFFFFFF  }
0xad: {  	[dreg:$0x0] =	wrdreg $0x60  }
0xae: {  	[dreg:$0x2] =	wrdreg s24  }
0xaf: {  	[dreg:$0x3] =	wrdreg s2  }
0xb0: {  	[dreg:$0x4] =	wrdreg $0x40800  }
0xb1: {  	[dreg:$0x5] =	wrdreg $0x9  }
0xb2: {  	_ =	task.clear_ibuf [dreg:s7], $0x6FFFF;
	_ =	strace $0x90000046  }
0xb3: {  	s29 =	simm.s32 $0x9;
	_ =	strace $0x80000048  }
0xb4: {  	_ =	swait.ge [sflag:s29], $0x1  }
0xb5: {  	[sflag:s29] =	ssyncadd.s32 $0xFFFFFFFF  }
0xb6: {  	_ =	strace $0x90000048  }
0xb7: {  	_ =	sfence  }
0xb8: {  	s30 =	sld [smem:$0x0];
	_ =	sdelay $0x2  }
0xb9: {  	s31 =	sshll.u32 s1, $0xD;
	s1 =	sshrl.u32 s1, $0x2  }
0xba: {  	s3 =	sand.u32 $0x4000, s31;
	s1 =	sadd.s32 s1, s30  }
0xbb: {  	s0 =	sor.u32 s3, s0;
	s1 =	sshll.u32 s1, $0x11  }
0xbc: {  	s0 =	sor.u32 s1, s0  }
0xbd: {  	s0 =	sadd.s32 $0x8F2B, s0  }
0xbe: {  	[sflag:s0] =	ssyncadd.remote.s32 $0x1  }
0xbf: {  	_ =	sfence.sel $0xFFFF  }
0xc0: {  	[dreg:$0x0] =	wrdreg $0xFFFFFFFF;
	(pc) =	sbr.abs _section_cstart, $3  }
0xc1: {  	[dreg:$0x1] =	wrdreg $0xFFFFFFFF  }
0xc2: {  	_ =	task.clear_ibuf [dreg:s7], $0x2FFFF;
	_ =	strace $0x9FFFFFFF  }
0xc3: {  	(tm) =	ssettm $0x7FFFFFFF  }
tec
execute0_lowered:
.L_overlay_start_1:
0x0: {  	(tag) =	ssettag $0x1  }
0x1: {  	s6 =	rddreg [dreg:$0x0]  }
0x2: {  	s1 =	rddreg [dreg:$0x1];
	s3 =	stileid.u32  }
0x3: {  	s0 =	srdreg.scid;
	s9 =	smul.u32 $0x14000, s3  }
0x4: {  	s2 =	rddreg [dreg:$0x2];
	s4 =	simm.s32 $0x0;
	s28 =	smul.u32 $0x50000, s3  }
0x5: {  	s7 =	sand.u32 $0x1, s0;
	s0 =	rddreg [dreg:$0x3];
	s11 =	smul.u32 $0x4F0, s3  }
0x6: {  	s13 =	simm.s32 $0x0;
	[smem:$0x7FF] =	sst s4;
	s5 =	smul.u32 $0x4F00, s7  }
0x7: {  	s31 =	sshll.u32 s3, $0x6;
	s8 =	smul.u32 $0x140000, s7;
	s7 =	ssub.s32 $0x2, s7  }
0x8: {  	_ =	strace $0x80000047;
	s29 =	sshrl.u32 s7, $0x1;
	s10 =	sadd.s32 s5, s6  }
0x9: {  	s5 =	sadd.s32 $0xC200, s6;
	s8 =	sadd.s32 s9, s8;
	s9 =	sshrl.u32 s28, $0x2  }
0xa: {  	s7 =	ssub.s32 s7, s29;
	s8 =	sshrl.u32 s8, $0x3;
	s12 =	sadd.s32 s9, s2  }
0xb: {  	s30 =	sadd.s32 s11, s10;
	s7 =	smax.u32 s7, $0x1;
	s9 =	simm.s32 $0x80  }
0xc: {  	s10 =	simm.s32 $0x1;
	s11 =	sor.u32 $0x1C01, s31;
	s6 =	sadd.s32 s8, s6  }
0xd: {  	s8 =	sadd.s32 $0x2400, s30;
	s12 =	sshrl.u32 s12, $0x3;
	s6 =	sadd.s32 $0xCA00, s6  }
.LBB2_1:
0xe: {  	[tilespmem:s9], [sflag:$0x1] =	stream.linear.gather [hbm4b:s5+s4], $0x4000, $0x38;
	[tilespmem:$0x6880] =	vst v63  }
0xf: {  	_ =	swait.ge [sflag:s10], $0x4000  }
0x10: {  	[sflag:s10] =	ssyncset.done $0x0  }
0x11: {  	[sflag:s10] =	ssyncadd.s32 $0xFFFFC000  }
0x12: {  	[spmem:s12], [sflag:s11] =	dma.local [hbm:s1], $0x2800  }
0x13: {  	_ =	swait.ge [sflag:s10], $0x2800  }
0x14: {  	[sflag:s10] =	ssyncset.done $0x0  }
0x15: {  	[sflag:s10] =	ssyncadd.s32 $0xFFFFD800  }
0x16: {  	s14 =	sadd.s32 $0x0, s8;
	[bflag:$0x0] =	sbarrier.arrive $0xFFFF  }
0x17: {  	[tilespmem:s4], [sflag:$0x1] =	stream.linear.gather [hbm4b:s14+s4], $0x80, $0x38;
	[tilespmem:$0x6880] =	vst v63  }
0x18: {  	_ =	swait.ge [sflag:s10], $0x80  }
0x19: {  	[sflag:s10] =	ssyncset.done $0x0  }
0x1a: {  	[sflag:s10] =	ssyncadd.s32 $0xFFFFFF80  }
0x1b: {  	[spmem:s2] =	stream.indirect.scatter.add.f32 [tilespmem:s9], [sflag:$0x1], $0x10, s4, s9, $0xb8;
	[tilespmem:$0x6880] =	vst v63  }
0x1c: {  	_ =	swait.ge [sflag:s10], $0x800  }
0x1d: {  	s15 =	simm.s32 $0x20;
	s14 =	simm.s32 $0x10;
	[sflag:s10] =	ssyncset.done $0x0  }
.LBB2_2:
0x1e: {  	s16 =	sadd.s32 s14, s8  }
0x1f: {  	[sflag:s10] =	ssyncadd.s32 $0xFFFFF800;
	s14 =	smov.u32 s15;
	s17 =	sadd.s32 $0x10, s15  }
0x20: {  	[tilespmem:s4], [sflag:$0x1] =	stream.linear.gather [hbm4b:s16+s4], $0x80, $0x38;
	[tilespmem:$0x6880] =	vst v63  }
0x21: {  	p0 =	sne.s32 s15, $0x4E0;
	_ =	swait.ge [sflag:s10], $0x80  }
.Ltmp0:
0x22: {  	[sflag:s10] =	ssyncset.done $0x0;
	(pc) =	sbr.rel @p0 .LBB2_2-.Ltmp0, $4  }
0x23: {  	[sflag:s10] =	ssyncadd.s32 $0xFFFFFF80  }
0x24: {  	[spmem:s2] =	stream.indirect.scatter.add.f32 [tilespmem:s9], [sflag:$0x1], $0x10, s4, s9, $0xb8;
	[tilespmem:$0x6880] =	vst v63  }
0x25: {  	_ =	swait.ge [sflag:s10], $0x800  }
0x26: {  	s15 =	smov.u32 s17;
	[sflag:s10] =	ssyncset.done $0x0  }
0x27: {  	s14 =	sadd.s32 s14, s8;
	[sflag:s10] =	ssyncadd.s32 $0xFFFFF800  }
0x28: {  	[tilespmem:s4], [sflag:$0x1] =	stream.linear.gather [hbm4b:s14+s4], $0x80, $0x38;
	[tilespmem:$0x6880] =	vst v63  }
0x29: {  	_ =	swait.ge [sflag:s10], $0x80  }
0x2a: {  	[sflag:s10] =	ssyncset.done $0x0  }
0x2b: {  	[sflag:s10] =	ssyncadd.s32 $0xFFFFFF80  }
0x2c: {  	[spmem:s2] =	stream.indirect.scatter.add.f32 [tilespmem:s9], [sflag:$0x1], $0x10, s4, s9, $0xb8;
	[tilespmem:$0x6880] =	vst v63  }
0x2d: {  	_ =	swait.ge [sflag:s10], $0x800  }
0x2e: {  	s13 =	sadd.s32 $0x1, s13;
	[sflag:s10] =	ssyncset.done $0x0  }
0x2f: {  	p0 =	sne.s32 s13, s7;
	[sflag:s10] =	ssyncadd.s32 $0xFFFFF800  }
.Ltmp1:
0x30: {  	[bflag:$0x0] =	sbarrier.arrive $0xFFFF;
	(pc) =	sbr.rel @p0 .LBB2_1-.Ltmp1, $4  }
0x31: {  	[hbm:s6], [sflag:s11] =	dma.local [spmem:s12], $0x2800  }
0x32: {  	_ =	swait.ge [sflag:s10], $0x2800  }
0x33: {  	[sflag:s10] =	ssyncset.done $0x0  }
0x34: {  	[sflag:s10] =	ssyncadd.s32 $0xFFFFD800  }
0x35: {  	_ =	sfence.sel $0x180000  }
0x36: {  	[bflag:$0x0] =	sbarrier.arrive $0xFFFF  }
0x37: {  	p0 =	sne.s32 s3, $0x0;
	_ =	strace $0x90000047  }
0x38: {  	s0 =	sadd.s32 @!p0 $0x100000, s0;
	[bflag:$0x2] =	sbarrier.arrive $0xFFFF  }
0x39: {  	[sflag:s0] =	ssyncadd.tile.s32 @!p0 $0x1;
	_ =	shalt  }
.Lfunc_end2:
_tile_overlayer_lowered:
.L_overlay_start_2:
0x3a: {  	(tag) =	ssettag $0x2  }
0x3b: {  	s0 =	rddreg [dreg:$0x0];
	s2 =	stileid.u32  }
0x3c: {  	s1 =	rddreg [dreg:$0x1];
	p0 =	sne.s32 s2, $0x0  }
0x3d: {  	s3 =	rddreg [dreg:$0x2];
	[bflag:$0x3] =	sbarrier.arrive $0xFFFF;
	s2 =	simm.s32 @!p0 $0x1C01  }
0x3e: {  	[timem:s3], [sflag:s2] =	dma.local @!p0 [hbm:s0], s1  }
0x3f: {  	s0 =	simm.s32 @!p0 $0x1  }
0x40: {  	_ =	swait.ge @!p0 [sflag:s0], s1  }
0x41: {  	s1 =	ssub.s32 @!p0 $0x0, s1;
	[sflag:s0] =	ssyncset.done @!p0 $0x0  }
0x42: {  	[sflag:s0] =	ssyncadd.s32 @!p0 s1  }
0x43: {  	[bflag:$0x3] =	sbarrier.arrive $0xFFFF  }
0x44: {  	_ =	shalt  }

</sc_bundles>
